<compile_context>
chip_gen: v7x
topology: tpu7x:2x2x1
jax: 0.10.2.dev20260603
libtpu: 0.0.44.dev20260713+nightly
codegen_flags: <defaults>
</compile_context>

<pallas_src>
import functools

import jax
import jax.numpy as jnp
from jax import lax
from jax.experimental import pallas as pl
from jax.experimental.pallas import tpu as pltpu
from jax.experimental.pallas import tpu_sc as plsc

N = 10000
E = 320000
NC = 2
NS = 16
K = 125
NCH = 80
RPT = 624
REM = N - NS * RPT
ZR = 48


def _sc_edge_scatter(D):
    mesh = plsc.VectorSubcoreMesh(core_axis_name="c", subcore_axis_name="s")

    def body(h, src, dst, out, sidx, didx, rows, zbuf, acc, semi, sem):
        cid = lax.axis_index("c")
        sid = lax.axis_index("s")

        ic = pltpu.async_copy(src.at[cid, sid], sidx, semi)
        dc = pltpu.async_copy(dst.at[cid, sid], didx, semi)

        def zrow(r, _):
            for j in range(D // 16):
                zbuf[r, pl.ds(j * 16, 16)] = jnp.zeros((16,), jnp.float32)
            return 0
        lax.fori_loop(0, ZR, zrow, 0)

        def zacc(j, _):
            pltpu.sync_copy(zbuf, acc.at[pl.ds(sid * RPT + j * ZR, ZR)])
            return 0
        lax.fori_loop(0, RPT // ZR, zacc, 0)

        @pl.when(sid == NS - 1)
        def _():
            pltpu.sync_copy(zbuf.at[pl.ds(0, REM)],
                            acc.at[pl.ds(NS * RPT, REM)])

        ic.wait()
        dc.wait()

        plsc.subcore_barrier()

        def step(j, _):
            pltpu.async_copy(h.at[sidx.at[j]], rows, sem)
            pltpu.make_async_copy(h.at[sidx.at[j]], rows, sem).wait()
            pltpu.sync_copy(rows, acc.at[didx.at[j]], add=True)
            return 0
        lax.fori_loop(0, NCH, step, 0)

        plsc.subcore_barrier()
        pltpu.sync_copy(acc.at[pl.ds(sid * RPT, RPT)],
                        out.at[cid, pl.ds(sid * RPT, RPT)])

        @pl.when(sid == NS - 1)
        def _():
            pltpu.sync_copy(acc.at[pl.ds(NS * RPT, REM)],
                            out.at[cid, pl.ds(NS * RPT, REM)])

    return pl.kernel(
        body,
        out_type=jax.ShapeDtypeStruct((NC, N, D), jnp.float32),
        mesh=mesh,
        scratch_types=[
            pltpu.VMEM((NCH, K), jnp.int32),
            pltpu.VMEM((NCH, K), jnp.int32),
            pltpu.VMEM((K, D), jnp.float32),
            pltpu.VMEM((ZR, D), jnp.float32),
            pltpu.VMEM_SHARED((N, D), jnp.float32),
            pltpu.SemaphoreType.DMA,
            pltpu.SemaphoreType.DMA,
        ],
        compiler_params=pltpu.CompilerParams(use_tc_tiling_on_sc=False),
    )


def _mm_body(x_ref, w_ref, o_ref):
    o_ref[...] = jnp.dot(x_ref[...], w_ref[...],
                         preferred_element_type=jnp.float32)


def _relu_mm_body(p_ref, w_ref, o_ref):
    r = jnp.maximum(p_ref[0] + p_ref[1], 0.0)
    o_ref[...] = jnp.dot(r, w_ref[...], preferred_element_type=jnp.float32)


def _add_body(q_ref, o_ref):
    o_ref[...] = q_ref[0] + q_ref[1]


@functools.lru_cache(maxsize=None)
def _layers():
    return _sc_edge_scatter(128), _sc_edge_scatter(64)


def kernel(x, adj, W1, W2):
    src = adj[0].astype(jnp.int32).reshape(NC, NS, NCH, K)
    dst = adj[1].astype(jnp.int32).reshape(NC, NS, NCH, K)
    sc1, sc2 = _layers()

    h1 = pl.pallas_call(
        _mm_body,
        out_shape=jax.ShapeDtypeStruct((N, 128), jnp.float32),
    )(x, W1)
    p1 = sc1(h1, src, dst)
    h2 = pl.pallas_call(
        _relu_mm_body,
        out_shape=jax.ShapeDtypeStruct((N, 64), jnp.float32),
    )(p1, W2)
    p2 = sc2(h2, src, dst)
    out = pl.pallas_call(
        _add_body,
        out_shape=jax.ShapeDtypeStruct((N, 64), jnp.float32),
    )(p2)
    return out

# --- scband reference (transcript-rebuilt; emitter-appended) ---
"""Pipeline reference for scband-gcn-90993177133181 (READ-ONLY COPY).

The authoritative reference and input builder live on the scoring server;
editing this copy changes nothing except your own understanding.
"""

import jax, jax.numpy as jnp
import numpy as np

N_NODES = 10000
N_EDGES = 320000
NFEAT = 128
NHID = 128
NCLASS = 64


def setup_inputs(seed: int = 0) -> dict:
    key = jax.random.key(seed)
    k1, k2, k3, k4 = jax.random.split(key, 4)
    x = jax.random.normal(k1, (N_NODES, NFEAT), dtype=jnp.float32)
    adj = jax.random.randint(k2, (2, N_EDGES), 0, N_NODES, dtype=jnp.int64)
    # GCNConv linear weights (bias=False). Glorot-style init.
    W1 = jax.random.normal(k3, (NFEAT, NHID), dtype=jnp.float32) * (1.0 / np.sqrt(NFEAT))
    W2 = jax.random.normal(k4, (NHID, NCLASS), dtype=jnp.float32) * (1.0 / np.sqrt(NHID))
    return {"x": x, "adj": adj, "W1": W1, "W2": W2}


def _gcn_conv(x, edge_index, W, num_nodes):
    # GCNConv with normalize=False, add_self_loops=False, bias=False:
    # h = x @ W; out[dst] = sum over edges of h[src]
    h = x @ W
    src = edge_index[0]
    dst = edge_index[1]
    msgs = jnp.take(h, src, axis=0)
    out = jax.ops.segment_sum(msgs, dst, num_segments=num_nodes)
    return out


def reference(x, adj, W1, W2):
    n = x.shape[0]
    h = _gcn_conv(x, adj, W1, n)
    h = jax.nn.relu(h)
    # F.dropout with training=False (eval mode) is identity
    out = _gcn_conv(h, adj, W2, n)
    return out

if __name__ == "__main__":
    import jax
    _d = setup_inputs()
    print(jax.jit(kernel)(*tuple(_d.values())))

</pallas_src>

<mosaic_0001>
#map = affine_map<(d0, d1) -> (0, 0)>
#map1 = affine_map<(d0, d1) -> (0, 0, 0, 0)>
#map2 = affine_map<(d0, d1) -> (0, 0, 0)>
module attributes {stable_mosaic.version = 14 : i64} {
  func.func @body(%arg0: i32, %arg1: i32, %arg2: memref<10000x128xf32, #tpu.memory_space<hbm>>, %arg3: memref<2x16x80x125xi32, #tpu.memory_space<hbm>>, %arg4: memref<2x16x80x125xi32, #tpu.memory_space<hbm>>, %arg5: memref<2x10000x128xf32, #tpu.memory_space<hbm>>, %arg6: memref<80x125xi32, #tpu.memory_space<vmem>>, %arg7: memref<80x125xi32, #tpu.memory_space<vmem>>, %arg8: memref<125x128xf32, #tpu.memory_space<vmem>>, %arg9: memref<48x128xf32, #tpu.memory_space<vmem>>, %arg10: memref<10000x128xf32, #tpu.memory_space<vmem_shared>>, %arg11: memref<!tpu.dma_semaphore, #tpu.memory_space<semaphore_mem>>, %arg12: memref<!tpu.dma_semaphore, #tpu.memory_space<semaphore_mem>>) attributes {dimension_semantics = [#tpu.dimension_semantics<core_parallel>, #tpu.dimension_semantics<subcore_parallel>], iteration_bounds = array<i64: 2, 16>, scalar_prefetch = 0 : i64, scratch_operands = 7 : i64, tpu.core_type = #tpu.core_type<sc_vector_subcore>, window_params = [{transform_indices = #map}, {transform_indices = #map1}, {transform_indices = #map1}, {transform_indices = #map2}]} {
    %dma_start3A = arith.constant 0 : i32
    %dma_start3A_0 = arith.constant 0 : i32
    %dma_start3A_1 = tpu.memref_slice %arg3[%arg0, %arg1, %dma_start3A, %dma_start3A_0] : memref<2x16x80x125xi32, #tpu.memory_space<hbm>> -> memref<1x1x80x125xi32, #tpu.memory_space<hbm>>
    %dma_start3A_2 = tpu.memref_squeeze %dma_start3A_1 : memref<1x1x80x125xi32, #tpu.memory_space<hbm>> -> memref<80x125xi32, #tpu.memory_space<hbm>>
    %dma_start3A_3 = arith.constant 0 : i32
    %dma_start3A_4 = arith.constant 0 : i32
    %dma_start3A_5 = tpu.memref_slice %arg3[%arg0, %arg1, %dma_start3A_3, %dma_start3A_4] : memref<2x16x80x125xi32, #tpu.memory_space<hbm>> -> memref<1x1x80x125xi32, #tpu.memory_space<hbm>>
    %dma_start3A_6 = tpu.memref_squeeze %dma_start3A_5 : memref<1x1x80x125xi32, #tpu.memory_space<hbm>> -> memref<80x125xi32, #tpu.memory_space<hbm>>
    tpu.enqueue_dma source(%dma_start3A_6 : memref<80x125xi32, #tpu.memory_space<hbm>>) target(%arg6 : memref<80x125xi32, #tpu.memory_space<vmem>>) target_semaphore(%arg11 : memref<!tpu.dma_semaphore, #tpu.memory_space<semaphore_mem>>)
    %dma_start3A_7 = arith.constant 0 : i32
    %dma_start3A_8 = arith.constant 0 : i32
    %dma_start3A_9 = tpu.memref_slice %arg4[%arg0, %arg1, %dma_start3A_7, %dma_start3A_8] : memref<2x16x80x125xi32, #tpu.memory_space<hbm>> -> memref<1x1x80x125xi32, #tpu.memory_space<hbm>>
    %dma_start3A_10 = tpu.memref_squeeze %dma_start3A_9 : memref<1x1x80x125xi32, #tpu.memory_space<hbm>> -> memref<80x125xi32, #tpu.memory_space<hbm>>
    %dma_start3A_11 = arith.constant 0 : i32
    %dma_start3A_12 = arith.constant 0 : i32
    %dma_start3A_13 = tpu.memref_slice %arg4[%arg0, %arg1, %dma_start3A_11, %dma_start3A_12] : memref<2x16x80x125xi32, #tpu.memory_space<hbm>> -> memref<1x1x80x125xi32, #tpu.memory_space<hbm>>
    %dma_start3A_14 = tpu.memref_squeeze %dma_start3A_13 : memref<1x1x80x125xi32, #tpu.memory_space<hbm>> -> memref<80x125xi32, #tpu.memory_space<hbm>>
    tpu.enqueue_dma source(%dma_start3A_14 : memref<80x125xi32, #tpu.memory_space<hbm>>) target(%arg7 : memref<80x125xi32, #tpu.memory_space<vmem>>) target_semaphore(%arg11 : memref<!tpu.dma_semaphore, #tpu.memory_space<semaphore_mem>>)
    %scan3A = arith.constant 0 : i32
    %scan3A_15 = arith.constant 0 : i32
    %scan3A_16 = arith.constant 48 : i32
    %scan3A_17 = arith.addi %scan3A_15, %scan3A_16 : i32
    %scan3A_18 = arith.constant 1 : i32
    %scan3A_19 = scf.for %scan3A_61 = %scan3A_15 to %scan3A_17 step %scan3A_18 iter_args(%scan3A_62 = %scan3A) -> (i32)  : i32 {
      %broadcast_in_dim3A = arith.constant 0.000000e+00 : f32
      %broadcast_in_dim3A_63 = vector.broadcast %broadcast_in_dim3A : f32 to vector<16xf32>
      %swap3A = arith.index_cast %scan3A_61 : i32 to index
      %swap3A_64 = arith.constant 0 : index
      %swap3A_65 = tpu.vector_load %arg9[%swap3A, %swap3A_64] {strides = array<i32>} : memref<48x128xf32, #tpu.memory_space<vmem>>, vector<1x16xf32>,
      %swap3A_66 = vector.shape_cast %swap3A_65 : vector<1x16xf32> to vector<16xf32>
      %swap3A_67 = vector.shape_cast %broadcast_in_dim3A_63 : vector<16xf32> to vector<1x16xf32>
      tpu.vector_store %arg9[%swap3A, %swap3A_64], %swap3A_67 {strides = array<i32>} : memref<48x128xf32, #tpu.memory_space<vmem>>, vector<1x16xf32>,
      %broadcast_in_dim3A_68 = arith.constant 0.000000e+00 : f32
      %broadcast_in_dim3A_69 = vector.broadcast %broadcast_in_dim3A_68 : f32 to vector<16xf32>
      %swap3A_70 = arith.index_cast %scan3A_61 : i32 to index
      %swap3A_71 = arith.constant 16 : index
      %swap3A_72 = tpu.vector_load %arg9[%swap3A_70, %swap3A_71] {strides = array<i32>} : memref<48x128xf32, #tpu.memory_space<vmem>>, vector<1x16xf32>,
      %swap3A_73 = vector.shape_cast %swap3A_72 : vector<1x16xf32> to vector<16xf32>
      %swap3A_74 = vector.shape_cast %broadcast_in_dim3A_69 : vector<16xf32> to vector<1x16xf32>
      tpu.vector_store %arg9[%swap3A_70, %swap3A_71], %swap3A_74 {strides = array<i32>} : memref<48x128xf32, #tpu.memory_space<vmem>>, vector<1x16xf32>,
      %broadcast_in_dim3A_75 = arith.constant 0.000000e+00 : f32
      %broadcast_in_dim3A_76 = vector.broadcast %broadcast_in_dim3A_75 : f32 to vector<16xf32>
      %swap3A_77 = arith.index_cast %scan3A_61 : i32 to index
      %swap3A_78 = arith.constant 32 : index
      %swap3A_79 = tpu.vector_load %arg9[%swap3A_77, %swap3A_78] {strides = array<i32>} : memref<48x128xf32, #tpu.memory_space<vmem>>, vector<1x16xf32>,
      %swap3A_80 = vector.shape_cast %swap3A_79 : vector<1x16xf32> to vector<16xf32>
      %swap3A_81 = vector.shape_cast %broadcast_in_dim3A_76 : vector<16xf32> to vector<1x16xf32>
      tpu.vector_store %arg9[%swap3A_77, %swap3A_78], %swap3A_81 {strides = array<i32>} : memref<48x128xf32, #tpu.memory_space<vmem>>, vector<1x16xf32>,
      %broadcast_in_dim3A_82 = arith.constant 0.000000e+00 : f32
      %broadcast_in_dim3A_83 = vector.broadcast %broadcast_in_dim3A_82 : f32 to vector<16xf32>
      %swap3A_84 = arith.index_cast %scan3A_61 : i32 to index
      %swap3A_85 = arith.constant 48 : index
      %swap3A_86 = tpu.vector_load %arg9[%swap3A_84, %swap3A_85] {strides = array<i32>} : memref<48x128xf32, #tpu.memory_space<vmem>>, vector<1x16xf32>,
      %swap3A_87 = vector.shape_cast %swap3A_86 : vector<1x16xf32> to vector<16xf32>
      %swap3A_88 = vector.shape_cast %broadcast_in_dim3A_83 : vector<16xf32> to vector<1x16xf32>
      tpu.vector_store %arg9[%swap3A_84, %swap3A_85], %swap3A_88 {strides = array<i32>} : memref<48x128xf32, #tpu.memory_space<vmem>>, vector<1x16xf32>,
      %broadcast_in_dim3A_89 = arith.constant 0.000000e+00 : f32
      %broadcast_in_dim3A_90 = vector.broadcast %broadcast_in_dim3A_89 : f32 to vector<16xf32>
      %swap3A_91 = arith.index_cast %scan3A_61 : i32 to index
      %swap3A_92 = arith.constant 64 : index
      %swap3A_93 = tpu.vector_load %arg9[%swap3A_91, %swap3A_92] {strides = array<i32>} : memref<48x128xf32, #tpu.memory_space<vmem>>, vector<1x16xf32>,
      %swap3A_94 = vector.shape_cast %swap3A_93 : vector<1x16xf32> to vector<16xf32>
      %swap3A_95 = vector.shape_cast %broadcast_in_dim3A_90 : vector<16xf32> to vector<1x16xf32>
      tpu.vector_store %arg9[%swap3A_91, %swap3A_92], %swap3A_95 {strides = array<i32>} : memref<48x128xf32, #tpu.memory_space<vmem>>, vector<1x16xf32>,
      %broadcast_in_dim3A_96 = arith.constant 0.000000e+00 : f32
      %broadcast_in_dim3A_97 = vector.broadcast %broadcast_in_dim3A_96 : f32 to vector<16xf32>
      %swap3A_98 = arith.index_cast %scan3A_61 : i32 to index
      %swap3A_99 = arith.constant 80 : index
      %swap3A_100 = tpu.vector_load %arg9[%swap3A_98, %swap3A_99] {strides = array<i32>} : memref<48x128xf32, #tpu.memory_space<vmem>>, vector<1x16xf32>,
      %swap3A_101 = vector.shape_cast %swap3A_100 : vector<1x16xf32> to vector<16xf32>
      %swap3A_102 = vector.shape_cast %broadcast_in_dim3A_97 : vector<16xf32> to vector<1x16xf32>
      tpu.vector_store %arg9[%swap3A_98, %swap3A_99], %swap3A_102 {strides = array<i32>} : memref<48x128xf32, #tpu.memory_space<vmem>>, vector<1x16xf32>,
      %broadcast_in_dim3A_103 = arith.constant 0.000000e+00 : f32
      %broadcast_in_dim3A_104 = vector.broadcast %broadcast_in_dim3A_103 : f32 to vector<16xf32>
      %swap3A_105 = arith.index_cast %scan3A_61 : i32 to index
      %swap3A_106 = arith.constant 96 : index
      %swap3A_107 = tpu.vector_load %arg9[%swap3A_105, %swap3A_106] {strides = array<i32>} : memref<48x128xf32, #tpu.memory_space<vmem>>, vector<1x16xf32>,
      %swap3A_108 = vector.shape_cast %swap3A_107 : vector<1x16xf32> to vector<16xf32>
      %swap3A_109 = vector.shape_cast %broadcast_in_dim3A_104 : vector<16xf32> to vector<1x16xf32>
      tpu.vector_store %arg9[%swap3A_105, %swap3A_106], %swap3A_109 {strides = array<i32>} : memref<48x128xf32, #tpu.memory_space<vmem>>, vector<1x16xf32>,
      %broadcast_in_dim3A_110 = arith.constant 0.000000e+00 : f32
      %broadcast_in_dim3A_111 = vector.broadcast %broadcast_in_dim3A_110 : f32 to vector<16xf32>
      %swap3A_112 = arith.index_cast %scan3A_61 : i32 to index
      %swap3A_113 = arith.constant 112 : index
      %swap3A_114 = tpu.vector_load %arg9[%swap3A_112, %swap3A_113] {strides = array<i32>} : memref<48x128xf32, #tpu.memory_space<vmem>>, vector<1x16xf32>,
      %swap3A_115 = vector.shape_cast %swap3A_114 : vector<1x16xf32> to vector<16xf32>
      %swap3A_116 = vector.shape_cast %broadcast_in_dim3A_111 : vector<16xf32> to vector<1x16xf32>
      tpu.vector_store %arg9[%swap3A_112, %swap3A_113], %swap3A_116 {strides = array<i32>} : memref<48x128xf32, #tpu.memory_space<vmem>>, vector<1x16xf32>,
      %scan3A_117 = arith.constant 0 : i32
      scf.yield %scan3A_117 : i32
    }
    %scan3A_20 = arith.constant 48 : i32
    %scan3A_21 = arith.constant 0 : i32
    %scan3A_22 = arith.constant 0 : i32
    %scan3A_23 = arith.constant 13 : i32
    %scan3A_24 = arith.addi %scan3A_22, %scan3A_23 : i32
    %scan3A_25 = arith.constant 1 : i32
    %scan3A_26 = scf.for %scan3A_61 = %scan3A_22 to %scan3A_24 step %scan3A_25 iter_args(%scan3A_62 = %scan3A_21) -> (i32)  : i32 {
      %mul3A_63 = arith.constant 624 : i32
      %mul3A_64 = arith.muli %arg1, %mul3A_63 : i32
      %mul3A_65 = arith.constant 48 : i32
      %mul3A_66 = arith.muli %scan3A_61, %mul3A_65 : i32
      %add3A = arith.addi %mul3A_64, %mul3A_66 : i32
      "tpu.region"() ({
        %run_scoped3A = tpu.sem_alloc : memref<!tpu.dma_semaphore, #tpu.memory_space<semaphore_mem>>
        %dma_start3A_68 = arith.constant 0 : i32
        %dma_start3A_69 = tpu.memref_slice %arg10[%add3A, %dma_start3A_68] : memref<10000x128xf32, #tpu.memory_space<vmem_shared>> -> memref<48x128xf32, #tpu.memory_space<vmem_shared>>
        %dma_start3A_70 = arith.constant 0 : i32
        %dma_start3A_71 = tpu.memref_slice %arg10[%add3A, %dma_start3A_70] : memref<10000x128xf32, #tpu.memory_space<vmem_shared>> -> memref<48x128xf32, #tpu.memory_space<vmem_shared>>
        tpu.enqueue_dma source(%arg9 : memref<48x128xf32, #tpu.memory_space<vmem>>) target(%dma_start3A_71 : memref<48x128xf32, #tpu.memory_space<vmem_shared>>) target_semaphore(%run_scoped3A : memref<!tpu.dma_semaphore, #tpu.memory_space<semaphore_mem>>)
        %dma_wait3A_72 = arith.constant 0 : i32
        %dma_wait3A_73 = tpu.memref_slice %arg10[%add3A, %dma_wait3A_72] : memref<10000x128xf32, #tpu.memory_space<vmem_shared>> -> memref<48x128xf32, #tpu.memory_space<vmem_shared>>
        %dma_wait3A_74 = arith.constant 0 : i32
        %dma_wait3A_75 = tpu.memref_slice %arg10[%add3A, %dma_wait3A_74] : memref<10000x128xf32, #tpu.memory_space<vmem_shared>> -> memref<48x128xf32, #tpu.memory_space<vmem_shared>>
        tpu.wait_dma2 semaphore(%run_scoped3A : memref<!tpu.dma_semaphore, #tpu.memory_space<semaphore_mem>>) src(%arg9 : memref<48x128xf32, #tpu.memory_space<vmem>>) dst(%dma_wait3A_75 : memref<48x128xf32, #tpu.memory_space<vmem_shared>>)
        tpu.yield
      }) : () -> ()
      %scan3A_67 = arith.constant 0 : i32
      scf.yield %scan3A_67 : i32
    }
    %scan3A_27 = arith.constant 13 : i32
    %eq3A = arith.constant 15 : i32
    %eq3A_28 = arith.cmpi eq, %arg1, %eq3A : i32
    %convert_element_type3A = arith.extui %eq3A_28 : i1 to i32
    %cond3A = arith.constant 0 : i32
    %cond3A_29 = arith.cmpi ne, %convert_element_type3A, %cond3A : i32
    scf.if %cond3A_29 {
      "tpu.region"() ({
        %run_scoped3A = tpu.sem_alloc : memref<!tpu.dma_semaphore, #tpu.memory_space<semaphore_mem>>
        %dma_start3A_61 = arith.constant 0 : i32
        %dma_start3A_62 = arith.constant 0 : i32
        %dma_start3A_63 = tpu.memref_slice %arg9[%dma_start3A_61, %dma_start3A_62] : memref<48x128xf32, #tpu.memory_space<vmem>> -> memref<16x128xf32, #tpu.memory_space<vmem>>
        %dma_start3A_64 = arith.constant 9984 : i32
        %dma_start3A_65 = arith.constant 0 : i32
        %dma_start3A_66 = tpu.memref_slice %arg10[%dma_start3A_64, %dma_start3A_65] : memref<10000x128xf32, #tpu.memory_space<vmem_shared>> -> memref<16x128xf32, #tpu.memory_space<vmem_shared>>
        %dma_start3A_67 = arith.constant 9984 : i32
        %dma_start3A_68 = arith.constant 0 : i32
        %dma_start3A_69 = tpu.memref_slice %arg10[%dma_start3A_67, %dma_start3A_68] : memref<10000x128xf32, #tpu.memory_space<vmem_shared>> -> memref<16x128xf32, #tpu.memory_space<vmem_shared>>
        %dma_start3A_70 = arith.constant 0 : i32
        %dma_start3A_71 = arith.constant 0 : i32
        %dma_start3A_72 = tpu.memref_slice %arg9[%dma_start3A_70, %dma_start3A_71] : memref<48x128xf32, #tpu.memory_space<vmem>> -> memref<16x128xf32, #tpu.memory_space<vmem>>
        tpu.enqueue_dma source(%dma_start3A_72 : memref<16x128xf32, #tpu.memory_space<vmem>>) target(%dma_start3A_69 : memref<16x128xf32, #tpu.memory_space<vmem_shared>>) target_semaphore(%run_scoped3A : memref<!tpu.dma_semaphore, #tpu.memory_space<semaphore_mem>>)
        %dma_wait3A_73 = arith.constant 0 : i32
        %dma_wait3A_74 = arith.constant 0 : i32
        %dma_wait3A_75 = tpu.memref_slice %arg9[%dma_wait3A_73, %dma_wait3A_74] : memref<48x128xf32, #tpu.memory_space<vmem>> -> memref<16x128xf32, #tpu.memory_space<vmem>>
        %dma_wait3A_76 = arith.constant 9984 : i32
        %dma_wait3A_77 = arith.constant 0 : i32
        %dma_wait3A_78 = tpu.memref_slice %arg10[%dma_wait3A_76, %dma_wait3A_77] : memref<10000x128xf32, #tpu.memory_space<vmem_shared>> -> memref<16x128xf32, #tpu.memory_space<vmem_shared>>
        %dma_wait3A_79 = arith.constant 9984 : i32
        %dma_wait3A_80 = arith.constant 0 : i32
        %dma_wait3A_81 = tpu.memref_slice %arg10[%dma_wait3A_79, %dma_wait3A_80] : memref<10000x128xf32, #tpu.memory_space<vmem_shared>> -> memref<16x128xf32, #tpu.memory_space<vmem_shared>>
        %dma_wait3A_82 = arith.constant 0 : i32
        %dma_wait3A_83 = arith.constant 0 : i32
        %dma_wait3A_84 = tpu.memref_slice %arg9[%dma_wait3A_82, %dma_wait3A_83] : memref<48x128xf32, #tpu.memory_space<vmem>> -> memref<16x128xf32, #tpu.memory_space<vmem>>
        tpu.wait_dma2 semaphore(%run_scoped3A : memref<!tpu.dma_semaphore, #tpu.memory_space<semaphore_mem>>) src(%dma_wait3A_84 : memref<16x128xf32, #tpu.memory_space<vmem>>) dst(%dma_wait3A_81 : memref<16x128xf32, #tpu.memory_space<vmem_shared>>)
        tpu.yield
      }) : () -> ()
    } else {
    }
    %dma_wait3A = arith.constant 0 : i32
    %dma_wait3A_30 = arith.constant 0 : i32
    %dma_wait3A_31 = tpu.memref_slice %arg3[%arg0, %arg1, %dma_wait3A, %dma_wait3A_30] : memref<2x16x80x125xi32, #tpu.memory_space<hbm>> -> memref<1x1x80x125xi32, #tpu.memory_space<hbm>>
    %dma_wait3A_32 = tpu.memref_squeeze %dma_wait3A_31 : memref<1x1x80x125xi32, #tpu.memory_space<hbm>> -> memref<80x125xi32, #tpu.memory_space<hbm>>
    %dma_wait3A_33 = arith.constant 0 : i32
    %dma_wait3A_34 = arith.constant 0 : i32
    %dma_wait3A_35 = tpu.memref_slice %arg3[%arg0, %arg1, %dma_wait3A_33, %dma_wait3A_34] : memref<2x16x80x125xi32, #tpu.memory_space<hbm>> -> memref<1x1x80x125xi32, #tpu.memory_space<hbm>>
    %dma_wait3A_36 = tpu.memref_squeeze %dma_wait3A_35 : memref<1x1x80x125xi32, #tpu.memory_space<hbm>> -> memref<80x125xi32, #tpu.memory_space<hbm>>
    tpu.wait_dma2 semaphore(%arg11 : memref<!tpu.dma_semaphore, #tpu.memory_space<semaphore_mem>>) src(%dma_wait3A_36 : memref<80x125xi32, #tpu.memory_space<hbm>>) dst(%arg6 : memref<80x125xi32, #tpu.memory_space<vmem>>)
    %dma_wait3A_37 = arith.constant 0 : i32
    %dma_wait3A_38 = arith.constant 0 : i32
    %dma_wait3A_39 = tpu.memref_slice %arg4[%arg0, %arg1, %dma_wait3A_37, %dma_wait3A_38] : memref<2x16x80x125xi32, #tpu.memory_space<hbm>> -> memref<1x1x80x125xi32, #tpu.memory_space<hbm>>
    %dma_wait3A_40 = tpu.memref_squeeze %dma_wait3A_39 : memref<1x1x80x125xi32, #tpu.memory_space<hbm>> -> memref<80x125xi32, #tpu.memory_space<hbm>>
    %dma_wait3A_41 = arith.constant 0 : i32
    %dma_wait3A_42 = arith.constant 0 : i32
    %dma_wait3A_43 = tpu.memref_slice %arg4[%arg0, %arg1, %dma_wait3A_41, %dma_wait3A_42] : memref<2x16x80x125xi32, #tpu.memory_space<hbm>> -> memref<1x1x80x125xi32, #tpu.memory_space<hbm>>
    %dma_wait3A_44 = tpu.memref_squeeze %dma_wait3A_43 : memref<1x1x80x125xi32, #tpu.memory_space<hbm>> -> memref<80x125xi32, #tpu.memory_space<hbm>>
    tpu.wait_dma2 semaphore(%arg11 : memref<!tpu.dma_semaphore, #tpu.memory_space<semaphore_mem>>) src(%dma_wait3A_44 : memref<80x125xi32, #tpu.memory_space<hbm>>) dst(%arg7 : memref<80x125xi32, #tpu.memory_space<vmem>>)
    %barrier3A = arith.constant 0 : index
    tpu.barrier barrier_id(%barrier3A)
    %scan3A_45 = arith.constant 0 : i32
    %scan3A_46 = arith.constant 0 : i32
    %scan3A_47 = arith.constant 80 : i32
    %scan3A_48 = arith.addi %scan3A_46, %scan3A_47 : i32
    %scan3A_49 = arith.constant 1 : i32
    %scan3A_50 = scf.for %scan3A_61 = %scan3A_46 to %scan3A_48 step %scan3A_49 iter_args(%scan3A_62 = %scan3A_45) -> (i32)  : i32 {
      %dma_start3A_63 = arith.constant 0 : i32
      %dma_start3A_64 = tpu.memref_slice %arg6[%scan3A_61, %dma_start3A_63] : memref<80x125xi32, #tpu.memory_space<vmem>> -> memref<1x125xi32, #tpu.memory_space<vmem>>
      %dma_start3A_65 = tpu.memref_squeeze %dma_start3A_64 : memref<1x125xi32, #tpu.memory_space<vmem>> -> memref<125xi32, #tpu.memory_space<vmem>>
      %dma_start3A_66 = arith.constant 0 : i32
      %dma_start3A_67 = arith.constant 0 : i32
      %dma_start3A_68 = tpu.memref_slice %arg2[%dma_start3A_66, %dma_start3A_67] : memref<10000x128xf32, #tpu.memory_space<hbm>> -> memref<10000x128xf32, #tpu.memory_space<hbm>>
      tpu.enqueue_indirect_dma source(%dma_start3A_68 : memref<10000x128xf32, #tpu.memory_space<hbm>>) target(%arg8 : memref<125x128xf32, #tpu.memory_space<vmem>>) offsets(%dma_start3A_65 : memref<125xi32, #tpu.memory_space<vmem>>) semaphore(%arg12 : memref<!tpu.dma_semaphore, #tpu.memory_space<semaphore_mem>>)
      %dma_wait3A_69 = arith.constant 0 : i32
      %dma_wait3A_70 = tpu.memref_slice %arg6[%scan3A_61, %dma_wait3A_69] : memref<80x125xi32, #tpu.memory_space<vmem>> -> memref<1x125xi32, #tpu.memory_space<vmem>>
      %dma_wait3A_71 = tpu.memref_squeeze %dma_wait3A_70 : memref<1x125xi32, #tpu.memory_space<vmem>> -> memref<125xi32, #tpu.memory_space<vmem>>
      %dma_wait3A_72 = arith.constant 0 : i32
      %dma_wait3A_73 = arith.constant 0 : i32
      %dma_wait3A_74 = tpu.memref_slice %arg2[%dma_wait3A_72, %dma_wait3A_73] : memref<10000x128xf32, #tpu.memory_space<hbm>> -> memref<10000x128xf32, #tpu.memory_space<hbm>>
      tpu.wait_indirect_dma semaphore(%arg12 : memref<!tpu.dma_semaphore, #tpu.memory_space<semaphore_mem>>) src(%dma_wait3A_74 : memref<10000x128xf32, #tpu.memory_space<hbm>>) dst(%arg8 : memref<125x128xf32, #tpu.memory_space<vmem>>)
      "tpu.region"() ({
        %run_scoped3A = tpu.sem_alloc : memref<!tpu.dma_semaphore, #tpu.memory_space<semaphore_mem>>
        %dma_start3A_76 = arith.constant 0 : i32
        %dma_start3A_77 = tpu.memref_slice %arg7[%scan3A_61, %dma_start3A_76] : memref<80x125xi32, #tpu.memory_space<vmem>> -> memref<1x125xi32, #tpu.memory_space<vmem>>
        %dma_start3A_78 = tpu.memref_squeeze %dma_start3A_77 : memref<1x125xi32, #tpu.memory_space<vmem>> -> memref<125xi32, #tpu.memory_space<vmem>>
        %dma_start3A_79 = arith.constant 0 : i32
        %dma_start3A_80 = arith.constant 0 : i32
        %dma_start3A_81 = tpu.memref_slice %arg10[%dma_start3A_79, %dma_start3A_80] : memref<10000x128xf32, #tpu.memory_space<vmem_shared>> -> memref<10000x128xf32, #tpu.memory_space<vmem_shared>>
        tpu.enqueue_indirect_dma source(%arg8 : memref<125x128xf32, #tpu.memory_space<vmem>>) target(%dma_start3A_81 : memref<10000x128xf32, #tpu.memory_space<vmem_shared>>) offsets(%dma_start3A_78 : memref<125xi32, #tpu.memory_space<vmem>>) semaphore(%run_scoped3A : memref<!tpu.dma_semaphore, #tpu.memory_space<semaphore_mem>>) {add = true}
        %dma_wait3A_82 = arith.constant 0 : i32
        %dma_wait3A_83 = tpu.memref_slice %arg7[%scan3A_61, %dma_wait3A_82] : memref<80x125xi32, #tpu.memory_space<vmem>> -> memref<1x125xi32, #tpu.memory_space<vmem>>
        %dma_wait3A_84 = tpu.memref_squeeze %dma_wait3A_83 : memref<1x125xi32, #tpu.memory_space<vmem>> -> memref<125xi32, #tpu.memory_space<vmem>>
        %dma_wait3A_85 = arith.constant 0 : i32
        %dma_wait3A_86 = arith.constant 0 : i32
        %dma_wait3A_87 = tpu.memref_slice %arg10[%dma_wait3A_85, %dma_wait3A_86] : memref<10000x128xf32, #tpu.memory_space<vmem_shared>> -> memref<10000x128xf32, #tpu.memory_space<vmem_shared>>
        tpu.wait_indirect_dma semaphore(%run_scoped3A : memref<!tpu.dma_semaphore, #tpu.memory_space<semaphore_mem>>) src(%arg8 : memref<125x128xf32, #tpu.memory_space<vmem>>) dst(%dma_wait3A_87 : memref<10000x128xf32, #tpu.memory_space<vmem_shared>>)
        tpu.yield
      }) : () -> ()
      %scan3A_75 = arith.constant 0 : i32
      scf.yield %scan3A_75 : i32
    }
    %scan3A_51 = arith.constant 80 : i32
    %barrier3A_52 = arith.constant 0 : index
    tpu.barrier barrier_id(%barrier3A_52)
    %mul3A = arith.constant 624 : i32
    %mul3A_53 = arith.muli %arg1, %mul3A : i32
    %mul3A_54 = arith.constant 624 : i32
    %mul3A_55 = arith.muli %arg1, %mul3A_54 : i32
    "tpu.region"() ({
      %run_scoped3A = tpu.sem_alloc : memref<!tpu.dma_semaphore, #tpu.memory_space<semaphore_mem>>
      %dma_start3A_61 = arith.constant 0 : i32
      %dma_start3A_62 = tpu.memref_slice %arg5[%arg0, %mul3A_55, %dma_start3A_61] : memref<2x10000x128xf32, #tpu.memory_space<hbm>> -> memref<1x624x128xf32, #tpu.memory_space<hbm>>
      %dma_start3A_63 = tpu.memref_squeeze %dma_start3A_62 : memref<1x624x128xf32, #tpu.memory_space<hbm>> -> memref<624x128xf32, #tpu.memory_space<hbm>>
      %dma_start3A_64 = arith.constant 0 : i32
      %dma_start3A_65 = tpu.memref_slice %arg10[%mul3A_53, %dma_start3A_64] : memref<10000x128xf32, #tpu.memory_space<vmem_shared>> -> memref<624x128xf32, #tpu.memory_space<vmem_shared>>
      tpu.enqueue_dma source(%dma_start3A_65 : memref<624x128xf32, #tpu.memory_space<vmem_shared>>) target(%dma_start3A_63 : memref<624x128xf32, #tpu.memory_space<hbm>>) target_semaphore(%run_scoped3A : memref<!tpu.dma_semaphore, #tpu.memory_space<semaphore_mem>>)
      %dma_wait3A_66 = arith.constant 0 : i32
      %dma_wait3A_67 = tpu.memref_slice %arg5[%arg0, %mul3A_55, %dma_wait3A_66] : memref<2x10000x128xf32, #tpu.memory_space<hbm>> -> memref<1x624x128xf32, #tpu.memory_space<hbm>>
      %dma_wait3A_68 = tpu.memref_squeeze %dma_wait3A_67 : memref<1x624x128xf32, #tpu.memory_space<hbm>> -> memref<624x128xf32, #tpu.memory_space<hbm>>
      %dma_wait3A_69 = arith.constant 0 : i32
      %dma_wait3A_70 = tpu.memref_slice %arg10[%mul3A_53, %dma_wait3A_69] : memref<10000x128xf32, #tpu.memory_space<vmem_shared>> -> memref<624x128xf32, #tpu.memory_space<vmem_shared>>
      tpu.wait_dma2 semaphore(%run_scoped3A : memref<!tpu.dma_semaphore, #tpu.memory_space<semaphore_mem>>) src(%dma_wait3A_70 : memref<624x128xf32, #tpu.memory_space<vmem_shared>>) dst(%dma_wait3A_68 : memref<624x128xf32, #tpu.memory_space<hbm>>)
      tpu.yield
    }) : () -> ()
    %eq3A_56 = arith.constant 15 : i32
    %eq3A_57 = arith.cmpi eq, %arg1, %eq3A_56 : i32
    %convert_element_type3A_58 = arith.extui %eq3A_57 : i1 to i32
    %cond3A_59 = arith.constant 0 : i32
    %cond3A_60 = arith.cmpi ne, %convert_element_type3A_58, %cond3A_59 : i32
    scf.if %cond3A_60 {
      "tpu.region"() ({
        %run_scoped3A = tpu.sem_alloc : memref<!tpu.dma_semaphore, #tpu.memory_space<semaphore_mem>>
        %dma_start3A_61 = arith.constant 9984 : i32
        %dma_start3A_62 = arith.constant 0 : i32
        %dma_start3A_63 = tpu.memref_slice %arg5[%arg0, %dma_start3A_61, %dma_start3A_62] : memref<2x10000x128xf32, #tpu.memory_space<hbm>> -> memref<1x16x128xf32, #tpu.memory_space<hbm>>
        %dma_start3A_64 = tpu.memref_squeeze %dma_start3A_63 : memref<1x16x128xf32, #tpu.memory_space<hbm>> -> memref<16x128xf32, #tpu.memory_space<hbm>>
        %dma_start3A_65 = arith.constant 9984 : i32
        %dma_start3A_66 = arith.constant 0 : i32
        %dma_start3A_67 = tpu.memref_slice %arg10[%dma_start3A_65, %dma_start3A_66] : memref<10000x128xf32, #tpu.memory_space<vmem_shared>> -> memref<16x128xf32, #tpu.memory_space<vmem_shared>>
        tpu.enqueue_dma source(%dma_start3A_67 : memref<16x128xf32, #tpu.memory_space<vmem_shared>>) target(%dma_start3A_64 : memref<16x128xf32, #tpu.memory_space<hbm>>) target_semaphore(%run_scoped3A : memref<!tpu.dma_semaphore, #tpu.memory_space<semaphore_mem>>)
        %dma_wait3A_68 = arith.constant 9984 : i32
        %dma_wait3A_69 = arith.constant 0 : i32
        %dma_wait3A_70 = tpu.memref_slice %arg5[%arg0, %dma_wait3A_68, %dma_wait3A_69] : memref<2x10000x128xf32, #tpu.memory_space<hbm>> -> memref<1x16x128xf32, #tpu.memory_space<hbm>>
        %dma_wait3A_71 = tpu.memref_squeeze %dma_wait3A_70 : memref<1x16x128xf32, #tpu.memory_space<hbm>> -> memref<16x128xf32, #tpu.memory_space<hbm>>
        %dma_wait3A_72 = arith.constant 9984 : i32
        %dma_wait3A_73 = arith.constant 0 : i32
        %dma_wait3A_74 = tpu.memref_slice %arg10[%dma_wait3A_72, %dma_wait3A_73] : memref<10000x128xf32, #tpu.memory_space<vmem_shared>> -> memref<16x128xf32, #tpu.memory_space<vmem_shared>>
        tpu.wait_dma2 semaphore(%run_scoped3A : memref<!tpu.dma_semaphore, #tpu.memory_space<semaphore_mem>>) src(%dma_wait3A_74 : memref<16x128xf32, #tpu.memory_space<vmem_shared>>) dst(%dma_wait3A_71 : memref<16x128xf32, #tpu.memory_space<hbm>>)
        tpu.yield
      }) : () -> ()
    } else {
    }
    return
  }
}

#map = affine_map<(d0, d1) -> (0, 0)>
#map1 = affine_map<(d0, d1) -> (0, 0, 0, 0)>
#map2 = affine_map<(d0, d1) -> (0, 0, 0)>
module attributes {stable_mosaic.version = 14 : i64} {
  func.func @body(%arg0: i32, %arg1: i32, %arg2: memref<10000x64xf32, #tpu.memory_space<hbm>>, %arg3: memref<2x16x80x125xi32, #tpu.memory_space<hbm>>, %arg4: memref<2x16x80x125xi32, #tpu.memory_space<hbm>>, %arg5: memref<2x10000x64xf32, #tpu.memory_space<hbm>>, %arg6: memref<80x125xi32, #tpu.memory_space<vmem>>, %arg7: memref<80x125xi32, #tpu.memory_space<vmem>>, %arg8: memref<125x64xf32, #tpu.memory_space<vmem>>, %arg9: memref<48x64xf32, #tpu.memory_space<vmem>>, %arg10: memref<10000x64xf32, #tpu.memory_space<vmem_shared>>, %arg11: memref<!tpu.dma_semaphore, #tpu.memory_space<semaphore_mem>>, %arg12: memref<!tpu.dma_semaphore, #tpu.memory_space<semaphore_mem>>) attributes {dimension_semantics = [#tpu.dimension_semantics<core_parallel>, #tpu.dimension_semantics<subcore_parallel>], iteration_bounds = array<i64: 2, 16>, scalar_prefetch = 0 : i64, scratch_operands = 7 : i64, tpu.core_type = #tpu.core_type<sc_vector_subcore>, window_params = [{transform_indices = #map}, {transform_indices = #map1}, {transform_indices = #map1}, {transform_indices = #map2}]} {
    %dma_start3A = arith.constant 0 : i32
    %dma_start3A_0 = arith.constant 0 : i32
    %dma_start3A_1 = tpu.memref_slice %arg3[%arg0, %arg1, %dma_start3A, %dma_start3A_0] : memref<2x16x80x125xi32, #tpu.memory_space<hbm>> -> memref<1x1x80x125xi32, #tpu.memory_space<hbm>>
    %dma_start3A_2 = tpu.memref_squeeze %dma_start3A_1 : memref<1x1x80x125xi32, #tpu.memory_space<hbm>> -> memref<80x125xi32, #tpu.memory_space<hbm>>
    %dma_start3A_3 = arith.constant 0 : i32
    %dma_start3A_4 = arith.constant 0 : i32
    %dma_start3A_5 = tpu.memref_slice %arg3[%arg0, %arg1, %dma_start3A_3, %dma_start3A_4] : memref<2x16x80x125xi32, #tpu.memory_space<hbm>> -> memref<1x1x80x125xi32, #tpu.memory_space<hbm>>
    %dma_start3A_6 = tpu.memref_squeeze %dma_start3A_5 : memref<1x1x80x125xi32, #tpu.memory_space<hbm>> -> memref<80x125xi32, #tpu.memory_space<hbm>>
    tpu.enqueue_dma source(%dma_start3A_6 : memref<80x125xi32, #tpu.memory_space<hbm>>) target(%arg6 : memref<80x125xi32, #tpu.memory_space<vmem>>) target_semaphore(%arg11 : memref<!tpu.dma_semaphore, #tpu.memory_space<semaphore_mem>>)
    %dma_start3A_7 = arith.constant 0 : i32
    %dma_start3A_8 = arith.constant 0 : i32
    %dma_start3A_9 = tpu.memref_slice %arg4[%arg0, %arg1, %dma_start3A_7, %dma_start3A_8] : memref<2x16x80x125xi32, #tpu.memory_space<hbm>> -> memref<1x1x80x125xi32, #tpu.memory_space<hbm>>
    %dma_start3A_10 = tpu.memref_squeeze %dma_start3A_9 : memref<1x1x80x125xi32, #tpu.memory_space<hbm>> -> memref<80x125xi32, #tpu.memory_space<hbm>>
    %dma_start3A_11 = arith.constant 0 : i32
    %dma_start3A_12 = arith.constant 0 : i32
    %dma_start3A_13 = tpu.memref_slice %arg4[%arg0, %arg1, %dma_start3A_11, %dma_start3A_12] : memref<2x16x80x125xi32, #tpu.memory_space<hbm>> -> memref<1x1x80x125xi32, #tpu.memory_space<hbm>>
    %dma_start3A_14 = tpu.memref_squeeze %dma_start3A_13 : memref<1x1x80x125xi32, #tpu.memory_space<hbm>> -> memref<80x125xi32, #tpu.memory_space<hbm>>
    tpu.enqueue_dma source(%dma_start3A_14 : memref<80x125xi32, #tpu.memory_space<hbm>>) target(%arg7 : memref<80x125xi32, #tpu.memory_space<vmem>>) target_semaphore(%arg11 : memref<!tpu.dma_semaphore, #tpu.memory_space<semaphore_mem>>)
    %scan3A = arith.constant 0 : i32
    %scan3A_15 = arith.constant 0 : i32
    %scan3A_16 = arith.constant 48 : i32
    %scan3A_17 = arith.addi %scan3A_15, %scan3A_16 : i32
    %scan3A_18 = arith.constant 1 : i32
    %scan3A_19 = scf.for %scan3A_61 = %scan3A_15 to %scan3A_17 step %scan3A_18 iter_args(%scan3A_62 = %scan3A) -> (i32)  : i32 {
      %broadcast_in_dim3A = arith.constant 0.000000e+00 : f32
      %broadcast_in_dim3A_63 = vector.broadcast %broadcast_in_dim3A : f32 to vector<16xf32>
      %swap3A = arith.index_cast %scan3A_61 : i32 to index
      %swap3A_64 = arith.constant 0 : index
      %swap3A_65 = tpu.vector_load %arg9[%swap3A, %swap3A_64] {strides = array<i32>} : memref<48x64xf32, #tpu.memory_space<vmem>>, vector<1x16xf32>,
      %swap3A_66 = vector.shape_cast %swap3A_65 : vector<1x16xf32> to vector<16xf32>
      %swap3A_67 = vector.shape_cast %broadcast_in_dim3A_63 : vector<16xf32> to vector<1x16xf32>
      tpu.vector_store %arg9[%swap3A, %swap3A_64], %swap3A_67 {strides = array<i32>} : memref<48x64xf32, #tpu.memory_space<vmem>>, vector<1x16xf32>,
      %broadcast_in_dim3A_68 = arith.constant 0.000000e+00 : f32
      %broadcast_in_dim3A_69 = vector.broadcast %broadcast_in_dim3A_68 : f32 to vector<16xf32>
      %swap3A_70 = arith.index_cast %scan3A_61 : i32 to index
      %swap3A_71 = arith.constant 16 : index
      %swap3A_72 = tpu.vector_load %arg9[%swap3A_70, %swap3A_71] {strides = array<i32>} : memref<48x64xf32, #tpu.memory_space<vmem>>, vector<1x16xf32>,
      %swap3A_73 = vector.shape_cast %swap3A_72 : vector<1x16xf32> to vector<16xf32>
      %swap3A_74 = vector.shape_cast %broadcast_in_dim3A_69 : vector<16xf32> to vector<1x16xf32>
      tpu.vector_store %arg9[%swap3A_70, %swap3A_71], %swap3A_74 {strides = array<i32>} : memref<48x64xf32, #tpu.memory_space<vmem>>, vector<1x16xf32>,
      %broadcast_in_dim3A_75 = arith.constant 0.000000e+00 : f32
      %broadcast_in_dim3A_76 = vector.broadcast %broadcast_in_dim3A_75 : f32 to vector<16xf32>
      %swap3A_77 = arith.index_cast %scan3A_61 : i32 to index
      %swap3A_78 = arith.constant 32 : index
      %swap3A_79 = tpu.vector_load %arg9[%swap3A_77, %swap3A_78] {strides = array<i32>} : memref<48x64xf32, #tpu.memory_space<vmem>>, vector<1x16xf32>,
      %swap3A_80 = vector.shape_cast %swap3A_79 : vector<1x16xf32> to vector<16xf32>
      %swap3A_81 = vector.shape_cast %broadcast_in_dim3A_76 : vector<16xf32> to vector<1x16xf32>
      tpu.vector_store %arg9[%swap3A_77, %swap3A_78], %swap3A_81 {strides = array<i32>} : memref<48x64xf32, #tpu.memory_space<vmem>>, vector<1x16xf32>,
      %broadcast_in_dim3A_82 = arith.constant 0.000000e+00 : f32
      %broadcast_in_dim3A_83 = vector.broadcast %broadcast_in_dim3A_82 : f32 to vector<16xf32>
      %swap3A_84 = arith.index_cast %scan3A_61 : i32 to index
      %swap3A_85 = arith.constant 48 : index
      %swap3A_86 = tpu.vector_load %arg9[%swap3A_84, %swap3A_85] {strides = array<i32>} : memref<48x64xf32, #tpu.memory_space<vmem>>, vector<1x16xf32>,
      %swap3A_87 = vector.shape_cast %swap3A_86 : vector<1x16xf32> to vector<16xf32>
      %swap3A_88 = vector.shape_cast %broadcast_in_dim3A_83 : vector<16xf32> to vector<1x16xf32>
      tpu.vector_store %arg9[%swap3A_84, %swap3A_85], %swap3A_88 {strides = array<i32>} : memref<48x64xf32, #tpu.memory_space<vmem>>, vector<1x16xf32>,
      %scan3A_89 = arith.constant 0 : i32
      scf.yield %scan3A_89 : i32
    }
    %scan3A_20 = arith.constant 48 : i32
    %scan3A_21 = arith.constant 0 : i32
    %scan3A_22 = arith.constant 0 : i32
    %scan3A_23 = arith.constant 13 : i32
    %scan3A_24 = arith.addi %scan3A_22, %scan3A_23 : i32
    %scan3A_25 = arith.constant 1 : i32
    %scan3A_26 = scf.for %scan3A_61 = %scan3A_22 to %scan3A_24 step %scan3A_25 iter_args(%scan3A_62 = %scan3A_21) -> (i32)  : i32 {
      %mul3A_63 = arith.constant 624 : i32
      %mul3A_64 = arith.muli %arg1, %mul3A_63 : i32
      %mul3A_65 = arith.constant 48 : i32
      %mul3A_66 = arith.muli %scan3A_61, %mul3A_65 : i32
      %add3A = arith.addi %mul3A_64, %mul3A_66 : i32
      "tpu.region"() ({
        %run_scoped3A = tpu.sem_alloc : memref<!tpu.dma_semaphore, #tpu.memory_space<semaphore_mem>>
        %dma_start3A_68 = arith.constant 0 : i32
        %dma_start3A_69 = tpu.memref_slice %arg10[%add3A, %dma_start3A_68] : memref<10000x64xf32, #tpu.memory_space<vmem_shared>> -> memref<48x64xf32, #tpu.memory_space<vmem_shared>>
        %dma_start3A_70 = arith.constant 0 : i32
        %dma_start3A_71 = tpu.memref_slice %arg10[%add3A, %dma_start3A_70] : memref<10000x64xf32, #tpu.memory_space<vmem_shared>> -> memref<48x64xf32, #tpu.memory_space<vmem_shared>>
        tpu.enqueue_dma source(%arg9 : memref<48x64xf32, #tpu.memory_space<vmem>>) target(%dma_start3A_71 : memref<48x64xf32, #tpu.memory_space<vmem_shared>>) target_semaphore(%run_scoped3A : memref<!tpu.dma_semaphore, #tpu.memory_space<semaphore_mem>>)
        %dma_wait3A_72 = arith.constant 0 : i32
        %dma_wait3A_73 = tpu.memref_slice %arg10[%add3A, %dma_wait3A_72] : memref<10000x64xf32, #tpu.memory_space<vmem_shared>> -> memref<48x64xf32, #tpu.memory_space<vmem_shared>>
        %dma_wait3A_74 = arith.constant 0 : i32
        %dma_wait3A_75 = tpu.memref_slice %arg10[%add3A, %dma_wait3A_74] : memref<10000x64xf32, #tpu.memory_space<vmem_shared>> -> memref<48x64xf32, #tpu.memory_space<vmem_shared>>
        tpu.wait_dma2 semaphore(%run_scoped3A : memref<!tpu.dma_semaphore, #tpu.memory_space<semaphore_mem>>) src(%arg9 : memref<48x64xf32, #tpu.memory_space<vmem>>) dst(%dma_wait3A_75 : memref<48x64xf32, #tpu.memory_space<vmem_shared>>)
        tpu.yield
      }) : () -> ()
      %scan3A_67 = arith.constant 0 : i32
      scf.yield %scan3A_67 : i32
    }
    %scan3A_27 = arith.constant 13 : i32
    %eq3A = arith.constant 15 : i32
    %eq3A_28 = arith.cmpi eq, %arg1, %eq3A : i32
    %convert_element_type3A = arith.extui %eq3A_28 : i1 to i32
    %cond3A = arith.constant 0 : i32
    %cond3A_29 = arith.cmpi ne, %convert_element_type3A, %cond3A : i32
    scf.if %cond3A_29 {
      "tpu.region"() ({
        %run_scoped3A = tpu.sem_alloc : memref<!tpu.dma_semaphore, #tpu.memory_space<semaphore_mem>>
        %dma_start3A_61 = arith.constant 0 : i32
        %dma_start3A_62 = arith.constant 0 : i32
        %dma_start3A_63 = tpu.memref_slice %arg9[%dma_start3A_61, %dma_start3A_62] : memref<48x64xf32, #tpu.memory_space<vmem>> -> memref<16x64xf32, #tpu.memory_space<vmem>>
        %dma_start3A_64 = arith.constant 9984 : i32
        %dma_start3A_65 = arith.constant 0 : i32
        %dma_start3A_66 = tpu.memref_slice %arg10[%dma_start3A_64, %dma_start3A_65] : memref<10000x64xf32, #tpu.memory_space<vmem_shared>> -> memref<16x64xf32, #tpu.memory_space<vmem_shared>>
        %dma_start3A_67 = arith.constant 9984 : i32
        %dma_start3A_68 = arith.constant 0 : i32
        %dma_start3A_69 = tpu.memref_slice %arg10[%dma_start3A_67, %dma_start3A_68] : memref<10000x64xf32, #tpu.memory_space<vmem_shared>> -> memref<16x64xf32, #tpu.memory_space<vmem_shared>>
        %dma_start3A_70 = arith.constant 0 : i32
        %dma_start3A_71 = arith.constant 0 : i32
        %dma_start3A_72 = tpu.memref_slice %arg9[%dma_start3A_70, %dma_start3A_71] : memref<48x64xf32, #tpu.memory_space<vmem>> -> memref<16x64xf32, #tpu.memory_space<vmem>>
        tpu.enqueue_dma source(%dma_start3A_72 : memref<16x64xf32, #tpu.memory_space<vmem>>) target(%dma_start3A_69 : memref<16x64xf32, #tpu.memory_space<vmem_shared>>) target_semaphore(%run_scoped3A : memref<!tpu.dma_semaphore, #tpu.memory_space<semaphore_mem>>)
        %dma_wait3A_73 = arith.constant 0 : i32
        %dma_wait3A_74 = arith.constant 0 : i32
        %dma_wait3A_75 = tpu.memref_slice %arg9[%dma_wait3A_73, %dma_wait3A_74] : memref<48x64xf32, #tpu.memory_space<vmem>> -> memref<16x64xf32, #tpu.memory_space<vmem>>
        %dma_wait3A_76 = arith.constant 9984 : i32
        %dma_wait3A_77 = arith.constant 0 : i32
        %dma_wait3A_78 = tpu.memref_slice %arg10[%dma_wait3A_76, %dma_wait3A_77] : memref<10000x64xf32, #tpu.memory_space<vmem_shared>> -> memref<16x64xf32, #tpu.memory_space<vmem_shared>>
        %dma_wait3A_79 = arith.constant 9984 : i32
        %dma_wait3A_80 = arith.constant 0 : i32
        %dma_wait3A_81 = tpu.memref_slice %arg10[%dma_wait3A_79, %dma_wait3A_80] : memref<10000x64xf32, #tpu.memory_space<vmem_shared>> -> memref<16x64xf32, #tpu.memory_space<vmem_shared>>
        %dma_wait3A_82 = arith.constant 0 : i32
        %dma_wait3A_83 = arith.constant 0 : i32
        %dma_wait3A_84 = tpu.memref_slice %arg9[%dma_wait3A_82, %dma_wait3A_83] : memref<48x64xf32, #tpu.memory_space<vmem>> -> memref<16x64xf32, #tpu.memory_space<vmem>>
        tpu.wait_dma2 semaphore(%run_scoped3A : memref<!tpu.dma_semaphore, #tpu.memory_space<semaphore_mem>>) src(%dma_wait3A_84 : memref<16x64xf32, #tpu.memory_space<vmem>>) dst(%dma_wait3A_81 : memref<16x64xf32, #tpu.memory_space<vmem_shared>>)
        tpu.yield
      }) : () -> ()
    } else {
    }
    %dma_wait3A = arith.constant 0 : i32
    %dma_wait3A_30 = arith.constant 0 : i32
    %dma_wait3A_31 = tpu.memref_slice %arg3[%arg0, %arg1, %dma_wait3A, %dma_wait3A_30] : memref<2x16x80x125xi32, #tpu.memory_space<hbm>> -> memref<1x1x80x125xi32, #tpu.memory_space<hbm>>
    %dma_wait3A_32 = tpu.memref_squeeze %dma_wait3A_31 : memref<1x1x80x125xi32, #tpu.memory_space<hbm>> -> memref<80x125xi32, #tpu.memory_space<hbm>>
    %dma_wait3A_33 = arith.constant 0 : i32
    %dma_wait3A_34 = arith.constant 0 : i32
    %dma_wait3A_35 = tpu.memref_slice %arg3[%arg0, %arg1, %dma_wait3A_33, %dma_wait3A_34] : memref<2x16x80x125xi32, #tpu.memory_space<hbm>> -> memref<1x1x80x125xi32, #tpu.memory_space<hbm>>
    %dma_wait3A_36 = tpu.memref_squeeze %dma_wait3A_35 : memref<1x1x80x125xi32, #tpu.memory_space<hbm>> -> memref<80x125xi32, #tpu.memory_space<hbm>>
    tpu.wait_dma2 semaphore(%arg11 : memref<!tpu.dma_semaphore, #tpu.memory_space<semaphore_mem>>) src(%dma_wait3A_36 : memref<80x125xi32, #tpu.memory_space<hbm>>) dst(%arg6 : memref<80x125xi32, #tpu.memory_space<vmem>>)
    %dma_wait3A_37 = arith.constant 0 : i32
    %dma_wait3A_38 = arith.constant 0 : i32
    %dma_wait3A_39 = tpu.memref_slice %arg4[%arg0, %arg1, %dma_wait3A_37, %dma_wait3A_38] : memref<2x16x80x125xi32, #tpu.memory_space<hbm>> -> memref<1x1x80x125xi32, #tpu.memory_space<hbm>>
    %dma_wait3A_40 = tpu.memref_squeeze %dma_wait3A_39 : memref<1x1x80x125xi32, #tpu.memory_space<hbm>> -> memref<80x125xi32, #tpu.memory_space<hbm>>
    %dma_wait3A_41 = arith.constant 0 : i32
    %dma_wait3A_42 = arith.constant 0 : i32
    %dma_wait3A_43 = tpu.memref_slice %arg4[%arg0, %arg1, %dma_wait3A_41, %dma_wait3A_42] : memref<2x16x80x125xi32, #tpu.memory_space<hbm>> -> memref<1x1x80x125xi32, #tpu.memory_space<hbm>>
    %dma_wait3A_44 = tpu.memref_squeeze %dma_wait3A_43 : memref<1x1x80x125xi32, #tpu.memory_space<hbm>> -> memref<80x125xi32, #tpu.memory_space<hbm>>
    tpu.wait_dma2 semaphore(%arg11 : memref<!tpu.dma_semaphore, #tpu.memory_space<semaphore_mem>>) src(%dma_wait3A_44 : memref<80x125xi32, #tpu.memory_space<hbm>>) dst(%arg7 : memref<80x125xi32, #tpu.memory_space<vmem>>)
    %barrier3A = arith.constant 0 : index
    tpu.barrier barrier_id(%barrier3A)
    %scan3A_45 = arith.constant 0 : i32
    %scan3A_46 = arith.constant 0 : i32
    %scan3A_47 = arith.constant 80 : i32
    %scan3A_48 = arith.addi %scan3A_46, %scan3A_47 : i32
    %scan3A_49 = arith.constant 1 : i32
    %scan3A_50 = scf.for %scan3A_61 = %scan3A_46 to %scan3A_48 step %scan3A_49 iter_args(%scan3A_62 = %scan3A_45) -> (i32)  : i32 {
      %dma_start3A_63 = arith.constant 0 : i32
      %dma_start3A_64 = tpu.memref_slice %arg6[%scan3A_61, %dma_start3A_63] : memref<80x125xi32, #tpu.memory_space<vmem>> -> memref<1x125xi32, #tpu.memory_space<vmem>>
      %dma_start3A_65 = tpu.memref_squeeze %dma_start3A_64 : memref<1x125xi32, #tpu.memory_space<vmem>> -> memref<125xi32, #tpu.memory_space<vmem>>
      %dma_start3A_66 = arith.constant 0 : i32
      %dma_start3A_67 = arith.constant 0 : i32
      %dma_start3A_68 = tpu.memref_slice %arg2[%dma_start3A_66, %dma_start3A_67] : memref<10000x64xf32, #tpu.memory_space<hbm>> -> memref<10000x64xf32, #tpu.memory_space<hbm>>
      tpu.enqueue_indirect_dma source(%dma_start3A_68 : memref<10000x64xf32, #tpu.memory_space<hbm>>) target(%arg8 : memref<125x64xf32, #tpu.memory_space<vmem>>) offsets(%dma_start3A_65 : memref<125xi32, #tpu.memory_space<vmem>>) semaphore(%arg12 : memref<!tpu.dma_semaphore, #tpu.memory_space<semaphore_mem>>)
      %dma_wait3A_69 = arith.constant 0 : i32
      %dma_wait3A_70 = tpu.memref_slice %arg6[%scan3A_61, %dma_wait3A_69] : memref<80x125xi32, #tpu.memory_space<vmem>> -> memref<1x125xi32, #tpu.memory_space<vmem>>
      %dma_wait3A_71 = tpu.memref_squeeze %dma_wait3A_70 : memref<1x125xi32, #tpu.memory_space<vmem>> -> memref<125xi32, #tpu.memory_space<vmem>>
      %dma_wait3A_72 = arith.constant 0 : i32
      %dma_wait3A_73 = arith.constant 0 : i32
      %dma_wait3A_74 = tpu.memref_slice %arg2[%dma_wait3A_72, %dma_wait3A_73] : memref<10000x64xf32, #tpu.memory_space<hbm>> -> memref<10000x64xf32, #tpu.memory_space<hbm>>
      tpu.wait_indirect_dma semaphore(%arg12 : memref<!tpu.dma_semaphore, #tpu.memory_space<semaphore_mem>>) src(%dma_wait3A_74 : memref<10000x64xf32, #tpu.memory_space<hbm>>) dst(%arg8 : memref<125x64xf32, #tpu.memory_space<vmem>>)
      "tpu.region"() ({
        %run_scoped3A = tpu.sem_alloc : memref<!tpu.dma_semaphore, #tpu.memory_space<semaphore_mem>>
        %dma_start3A_76 = arith.constant 0 : i32
        %dma_start3A_77 = tpu.memref_slice %arg7[%scan3A_61, %dma_start3A_76] : memref<80x125xi32, #tpu.memory_space<vmem>> -> memref<1x125xi32, #tpu.memory_space<vmem>>
        %dma_start3A_78 = tpu.memref_squeeze %dma_start3A_77 : memref<1x125xi32, #tpu.memory_space<vmem>> -> memref<125xi32, #tpu.memory_space<vmem>>
        %dma_start3A_79 = arith.constant 0 : i32
        %dma_start3A_80 = arith.constant 0 : i32
        %dma_start3A_81 = tpu.memref_slice %arg10[%dma_start3A_79, %dma_start3A_80] : memref<10000x64xf32, #tpu.memory_space<vmem_shared>> -> memref<10000x64xf32, #tpu.memory_space<vmem_shared>>
        tpu.enqueue_indirect_dma source(%arg8 : memref<125x64xf32, #tpu.memory_space<vmem>>) target(%dma_start3A_81 : memref<10000x64xf32, #tpu.memory_space<vmem_shared>>) offsets(%dma_start3A_78 : memref<125xi32, #tpu.memory_space<vmem>>) semaphore(%run_scoped3A : memref<!tpu.dma_semaphore, #tpu.memory_space<semaphore_mem>>) {add = true}
        %dma_wait3A_82 = arith.constant 0 : i32
        %dma_wait3A_83 = tpu.memref_slice %arg7[%scan3A_61, %dma_wait3A_82] : memref<80x125xi32, #tpu.memory_space<vmem>> -> memref<1x125xi32, #tpu.memory_space<vmem>>
        %dma_wait3A_84 = tpu.memref_squeeze %dma_wait3A_83 : memref<1x125xi32, #tpu.memory_space<vmem>> -> memref<125xi32, #tpu.memory_space<vmem>>
        %dma_wait3A_85 = arith.constant 0 : i32
        %dma_wait3A_86 = arith.constant 0 : i32
        %dma_wait3A_87 = tpu.memref_slice %arg10[%dma_wait3A_85, %dma_wait3A_86] : memref<10000x64xf32, #tpu.memory_space<vmem_shared>> -> memref<10000x64xf32, #tpu.memory_space<vmem_shared>>
        tpu.wait_indirect_dma semaphore(%run_scoped3A : memref<!tpu.dma_semaphore, #tpu.memory_space<semaphore_mem>>) src(%arg8 : memref<125x64xf32, #tpu.memory_space<vmem>>) dst(%dma_wait3A_87 : memref<10000x64xf32, #tpu.memory_space<vmem_shared>>)
        tpu.yield
      }) : () -> ()
      %scan3A_75 = arith.constant 0 : i32
      scf.yield %scan3A_75 : i32
    }
    %scan3A_51 = arith.constant 80 : i32
    %barrier3A_52 = arith.constant 0 : index
    tpu.barrier barrier_id(%barrier3A_52)
    %mul3A = arith.constant 624 : i32
    %mul3A_53 = arith.muli %arg1, %mul3A : i32
    %mul3A_54 = arith.constant 624 : i32
    %mul3A_55 = arith.muli %arg1, %mul3A_54 : i32
    "tpu.region"() ({
      %run_scoped3A = tpu.sem_alloc : memref<!tpu.dma_semaphore, #tpu.memory_space<semaphore_mem>>
      %dma_start3A_61 = arith.constant 0 : i32
      %dma_start3A_62 = tpu.memref_slice %arg5[%arg0, %mul3A_55, %dma_start3A_61] : memref<2x10000x64xf32, #tpu.memory_space<hbm>> -> memref<1x624x64xf32, #tpu.memory_space<hbm>>
      %dma_start3A_63 = tpu.memref_squeeze %dma_start3A_62 : memref<1x624x64xf32, #tpu.memory_space<hbm>> -> memref<624x64xf32, #tpu.memory_space<hbm>>
      %dma_start3A_64 = arith.constant 0 : i32
      %dma_start3A_65 = tpu.memref_slice %arg10[%mul3A_53, %dma_start3A_64] : memref<10000x64xf32, #tpu.memory_space<vmem_shared>> -> memref<624x64xf32, #tpu.memory_space<vmem_shared>>
      tpu.enqueue_dma source(%dma_start3A_65 : memref<624x64xf32, #tpu.memory_space<vmem_shared>>) target(%dma_start3A_63 : memref<624x64xf32, #tpu.memory_space<hbm>>) target_semaphore(%run_scoped3A : memref<!tpu.dma_semaphore, #tpu.memory_space<semaphore_mem>>)
      %dma_wait3A_66 = arith.constant 0 : i32
      %dma_wait3A_67 = tpu.memref_slice %arg5[%arg0, %mul3A_55, %dma_wait3A_66] : memref<2x10000x64xf32, #tpu.memory_space<hbm>> -> memref<1x624x64xf32, #tpu.memory_space<hbm>>
      %dma_wait3A_68 = tpu.memref_squeeze %dma_wait3A_67 : memref<1x624x64xf32, #tpu.memory_space<hbm>> -> memref<624x64xf32, #tpu.memory_space<hbm>>
      %dma_wait3A_69 = arith.constant 0 : i32
      %dma_wait3A_70 = tpu.memref_slice %arg10[%mul3A_53, %dma_wait3A_69] : memref<10000x64xf32, #tpu.memory_space<vmem_shared>> -> memref<624x64xf32, #tpu.memory_space<vmem_shared>>
      tpu.wait_dma2 semaphore(%run_scoped3A : memref<!tpu.dma_semaphore, #tpu.memory_space<semaphore_mem>>) src(%dma_wait3A_70 : memref<624x64xf32, #tpu.memory_space<vmem_shared>>) dst(%dma_wait3A_68 : memref<624x64xf32, #tpu.memory_space<hbm>>)
      tpu.yield
    }) : () -> ()
    %eq3A_56 = arith.constant 15 : i32
    %eq3A_57 = arith.cmpi eq, %arg1, %eq3A_56 : i32
    %convert_element_type3A_58 = arith.extui %eq3A_57 : i1 to i32
    %cond3A_59 = arith.constant 0 : i32
    %cond3A_60 = arith.cmpi ne, %convert_element_type3A_58, %cond3A_59 : i32
    scf.if %cond3A_60 {
      "tpu.region"() ({
        %run_scoped3A = tpu.sem_alloc : memref<!tpu.dma_semaphore, #tpu.memory_space<semaphore_mem>>
        %dma_start3A_61 = arith.constant 9984 : i32
        %dma_start3A_62 = arith.constant 0 : i32
        %dma_start3A_63 = tpu.memref_slice %arg5[%arg0, %dma_start3A_61, %dma_start3A_62] : memref<2x10000x64xf32, #tpu.memory_space<hbm>> -> memref<1x16x64xf32, #tpu.memory_space<hbm>>
        %dma_start3A_64 = tpu.memref_squeeze %dma_start3A_63 : memref<1x16x64xf32, #tpu.memory_space<hbm>> -> memref<16x64xf32, #tpu.memory_space<hbm>>
        %dma_start3A_65 = arith.constant 9984 : i32
        %dma_start3A_66 = arith.constant 0 : i32
        %dma_start3A_67 = tpu.memref_slice %arg10[%dma_start3A_65, %dma_start3A_66] : memref<10000x64xf32, #tpu.memory_space<vmem_shared>> -> memref<16x64xf32, #tpu.memory_space<vmem_shared>>
        tpu.enqueue_dma source(%dma_start3A_67 : memref<16x64xf32, #tpu.memory_space<vmem_shared>>) target(%dma_start3A_64 : memref<16x64xf32, #tpu.memory_space<hbm>>) target_semaphore(%run_scoped3A : memref<!tpu.dma_semaphore, #tpu.memory_space<semaphore_mem>>)
        %dma_wait3A_68 = arith.constant 9984 : i32
        %dma_wait3A_69 = arith.constant 0 : i32
        %dma_wait3A_70 = tpu.memref_slice %arg5[%arg0, %dma_wait3A_68, %dma_wait3A_69] : memref<2x10000x64xf32, #tpu.memory_space<hbm>> -> memref<1x16x64xf32, #tpu.memory_space<hbm>>
        %dma_wait3A_71 = tpu.memref_squeeze %dma_wait3A_70 : memref<1x16x64xf32, #tpu.memory_space<hbm>> -> memref<16x64xf32, #tpu.memory_space<hbm>>
        %dma_wait3A_72 = arith.constant 9984 : i32
        %dma_wait3A_73 = arith.constant 0 : i32
        %dma_wait3A_74 = tpu.memref_slice %arg10[%dma_wait3A_72, %dma_wait3A_73] : memref<10000x64xf32, #tpu.memory_space<vmem_shared>> -> memref<16x64xf32, #tpu.memory_space<vmem_shared>>
        tpu.wait_dma2 semaphore(%run_scoped3A : memref<!tpu.dma_semaphore, #tpu.memory_space<semaphore_mem>>) src(%dma_wait3A_74 : memref<16x64xf32, #tpu.memory_space<vmem_shared>>) dst(%dma_wait3A_71 : memref<16x64xf32, #tpu.memory_space<hbm>>)
        tpu.yield
      }) : () -> ()
    } else {
    }
    return
  }
}

module attributes {stable_mosaic.version = 14 : i64} {
  func.func @_mm_body(%arg0: memref<10000x128xf32, #tpu.memory_space<vmem>>, %arg1: memref<128x128xf32, #tpu.memory_space<vmem>>, %arg2: memref<10000x128xf32, #tpu.memory_space<vmem>>) attributes {dimension_semantics = [], scalar_prefetch = 0 : i64, scratch_operands = 0 : i64, tpu.core_type = #tpu.core_type<tc>} {
    %get3A = arith.constant 0 : index
    %get3A_0 = arith.constant 0 : index
    %get3A_1 = vector.load %arg0[%get3A, %get3A_0] : memref<10000x128xf32, #tpu.memory_space<vmem>>, vector<10000x128xf32>
    %get3A_2 = arith.constant 0 : index
    %get3A_3 = arith.constant 0 : index
    %get3A_4 = vector.load %arg1[%get3A_2, %get3A_3] : memref<128x128xf32, #tpu.memory_space<vmem>>, vector<128x128xf32>
    %dot_general3A = arith.constant dense<0.000000e+00> : vector<10000x128xf32>
    %dot_general3A_5 = tpu.matmul %get3A_1, %get3A_4, %dot_general3A {dimension_numbers = #tpu.dot_dimension_numbers<[1], [0], [0], [1], [0, 0, 1, 1], [], []>, transpose_lhs_hint = false} : vector<10000x128xf32>, vector<128x128xf32>, vector<10000x128xf32> -> vector<10000x128xf32>
    %swap3A = arith.constant 0 : index
    %swap3A_6 = arith.constant 0 : index
    %swap3A_7 = vector.load %arg2[%swap3A, %swap3A_6] : memref<10000x128xf32, #tpu.memory_space<vmem>>, vector<10000x128xf32>
    tpu.vector_store %arg2[%swap3A, %swap3A_6], %dot_general3A_5 {strides = array<i32>} : memref<10000x128xf32, #tpu.memory_space<vmem>>, vector<10000x128xf32>,
    return
  }
}

module attributes {stable_mosaic.version = 14 : i64} {
  func.func @_relu_mm_body(%arg0: memref<2x10000x128xf32, #tpu.memory_space<vmem>>, %arg1: memref<128x64xf32, #tpu.memory_space<vmem>>, %arg2: memref<10000x64xf32, #tpu.memory_space<vmem>>) attributes {dimension_semantics = [], scalar_prefetch = 0 : i64, scratch_operands = 0 : i64, tpu.core_type = #tpu.core_type<tc>} {
    %get3A = arith.constant 0 : index
    %get3A_0 = arith.constant 0 : index
    %get3A_1 = arith.constant 0 : index
    %get3A_2 = vector.load %arg0[%get3A, %get3A_0, %get3A_1] : memref<2x10000x128xf32, #tpu.memory_space<vmem>>, vector<1x10000x128xf32>
    %get3A_3 = vector.shape_cast %get3A_2 : vector<1x10000x128xf32> to vector<10000x128xf32>
    %get3A_4 = arith.constant 1 : index
    %get3A_5 = arith.constant 0 : index
    %get3A_6 = arith.constant 0 : index
    %get3A_7 = vector.load %arg0[%get3A_4, %get3A_5, %get3A_6] : memref<2x10000x128xf32, #tpu.memory_space<vmem>>, vector<1x10000x128xf32>
    %get3A_8 = vector.shape_cast %get3A_7 : vector<1x10000x128xf32> to vector<10000x128xf32>
    %add3A = arith.addf %get3A_3, %get3A_8 : vector<10000x128xf32>
    %max3A = arith.constant 0.000000e+00 : f32
    %max3A_9 = vector.broadcast %max3A : f32 to vector<10000x128xf32>
    %max3A_10 = arith.maximumf %add3A, %max3A_9 : vector<10000x128xf32>
    %get3A_11 = arith.constant 0 : index
    %get3A_12 = arith.constant 0 : index
    %get3A_13 = vector.load %arg1[%get3A_11, %get3A_12] : memref<128x64xf32, #tpu.memory_space<vmem>>, vector<128x64xf32>
    %dot_general3A = arith.constant dense<0.000000e+00> : vector<10000x64xf32>
    %dot_general3A_14 = tpu.matmul %max3A_10, %get3A_13, %dot_general3A {dimension_numbers = #tpu.dot_dimension_numbers<[1], [0], [0], [1], [0, 0, 1, 1], [], []>, transpose_lhs_hint = false} : vector<10000x128xf32>, vector<128x64xf32>, vector<10000x64xf32> -> vector<10000x64xf32>
    %swap3A = arith.constant 0 : index
    %swap3A_15 = arith.constant 0 : index
    %swap3A_16 = vector.load %arg2[%swap3A, %swap3A_15] : memref<10000x64xf32, #tpu.memory_space<vmem>>, vector<10000x64xf32>
    tpu.vector_store %arg2[%swap3A, %swap3A_15], %dot_general3A_14 {strides = array<i32>} : memref<10000x64xf32, #tpu.memory_space<vmem>>, vector<10000x64xf32>,
    return
  }
}

module attributes {stable_mosaic.version = 14 : i64} {
  func.func @_add_body(%arg0: memref<2x10000x64xf32, #tpu.memory_space<vmem>>, %arg1: memref<10000x64xf32, #tpu.memory_space<vmem>>) attributes {dimension_semantics = [], scalar_prefetch = 0 : i64, scratch_operands = 0 : i64, tpu.core_type = #tpu.core_type<tc>} {
    %get3A = arith.constant 0 : index
    %get3A_0 = arith.constant 0 : index
    %get3A_1 = arith.constant 0 : index
    %get3A_2 = vector.load %arg0[%get3A, %get3A_0, %get3A_1] : memref<2x10000x64xf32, #tpu.memory_space<vmem>>, vector<1x10000x64xf32>
    %get3A_3 = vector.shape_cast %get3A_2 : vector<1x10000x64xf32> to vector<10000x64xf32>
    %get3A_4 = arith.constant 1 : index
    %get3A_5 = arith.constant 0 : index
    %get3A_6 = arith.constant 0 : index
    %get3A_7 = vector.load %arg0[%get3A_4, %get3A_5, %get3A_6] : memref<2x10000x64xf32, #tpu.memory_space<vmem>>, vector<1x10000x64xf32>
    %get3A_8 = vector.shape_cast %get3A_7 : vector<1x10000x64xf32> to vector<10000x64xf32>
    %add3A = arith.addf %get3A_3, %get3A_8 : vector<10000x64xf32>
    %swap3A = arith.constant 0 : index
    %swap3A_9 = arith.constant 0 : index
    %swap3A_10 = vector.load %arg1[%swap3A, %swap3A_9] : memref<10000x64xf32, #tpu.memory_space<vmem>>, vector<10000x64xf32>
    tpu.vector_store %arg1[%swap3A, %swap3A_9], %add3A {strides = array<i32>} : memref<10000x64xf32, #tpu.memory_space<vmem>>, vector<10000x64xf32>,
    return
  }
}

</mosaic_0001>

<sc_bundles>
// kernel: kernel.10.cloned.1.call-start
scs
__scs_entry_jumppad:
0x0: {  	(pc) =	sbr.rel $0x88, $3  }
0x1: {  	(tag) =	ssettag $0x0;
	lr =	simm.s32 $0x1  }
0x2: {  	[smem:$0x3F9D] =	sst lr;
	_ =	strace $0xD0000000  }
0x3: {  	_ = 	snop  }
0x4: {  	_ = 	snop  }
0x5: {  	_ = 	snop  }
0x6: {  	_ = 	snop  }
0x7: {  	_ = 	snop  }
__scs_overlays_trampoline_lowered:
0x8: {  	[smem:$0x3FAC] =	sst s0  }
0x9: {  	[smem:$0x3FAD] =	sst s1  }
0xa: {  	[smem:$0x3FAE] =	sst s2  }
0xb: {  	[smem:$0x3FAF] =	sst s3  }
0xc: {  	[smem:$0x3FB0] =	sst s4  }
0xd: {  	[smem:$0x3FB1] =	sst s5  }
0xe: {  	[smem:$0x3FB2] =	sst s6  }
0xf: {  	[smem:$0x3FB3] =	sst s7  }
0x10: {  	[smem:$0x3FB4] =	sst s8  }
0x11: {  	[smem:$0x3FB5] =	sst s9;
	s0 =	simm.s32 @!p0 $0x0  }
0x12: {  	s1 =	sld [smem:$0x3F9B];
	s0 =	simm.s32 @p0 $0x1  }
0x13: {  	[smem:$0x3FB6] =	sst s0;
	s0 =	simm.s32 @!p1 $0x0  }
0x14: {  	s2 =	sld [smem:$0x3F9A];
	s0 =	simm.s32 @p1 $0x1  }
0x15: {  	[smem:$0x3FB7] =	sst s0;
	s0 =	simm.s32 @!p2 $0x0  }
0x16: {  	s3 =	sld [smem:$0x3FDB];
	s0 =	simm.s32 @p2 $0x1  }
0x17: {  	s4 =	simm.s32 $0x1BF5;
	[smem:$0x3FB9] =	sst s0  }
0x18: {  	s0 =	sld [smem:$0x3F9C];
	_ =	swait.ge [sflag:s4], $0x0  }
0x19: {  	s7 =	sld [smem:$0x3F9D]  }
0x1a: {  	s8 =	sadd.s32 $0xFFFFE003, lr  }
0x1b: {  	s9 =	sadd.s32 $0xFFFFFEF7, lr;
	s5 =	simm.s32 $0xFFFFFFFF;
	p2 =	slt.u32 s8, $0xFFFFF086  }
0x1c: {  	p1 =	slt.u32 s9, $0xF7A;
	s5 =	simm.s32 @!p2 $0x0  }
0x1d: {  	s5 =	simm.s32 @p1 $0x1;
	p0 =	seq.s32 s7, s2  }
0x1e: {  	s7 =	smul.u32 @!p0 $0xF7A, s2;
	p2 =	seq.s32 @!p0 s5, $0x0  }
0x1f: {  	s9 =	smul.u32 $0xF7A, s1;
	s8 =	simm.s32 @!p0 $0x1BF5;
	p2 =	por !p2, p0  }
0x20: {  	[sflag:s8] =	ssyncset.s32 @!p0 $0xFFFFF086;
	s6 =	sadd.s32 @!p0 s3, s7;
	s7 =	simm.s32 @!p0 $0x108  }
0x21: {  	s3 =	sadd.s32 s3, s9;
	s6 =	sadd.s32 @!p0 $0x88, s6;
	s7 =	simm.s32 @p2 $0x1082  }
0x22: {  	[simem:s7], [sflag:s8] =	dma.local @!p0 [hbm:s6], $0xF7A  }
0x23: {  	s9 =	sor.u32 $0xD0000000, s2;
	s6 =	simm.s32 $0x108;
	_ =	swait.ge @!p0 [sflag:s8], $0x0  }
0x24: {  	s3 =	sadd.s32 $0x88, s3;
	s6 =	simm.s32 @!p1 $0x1082;
	[sflag:s4] =	ssyncset.s32 $0xFFFFF086  }
0x25: {  	[simem:s6], [sflag:s4] =	dma.local [hbm:s3], $0xF7A  }
0x26: {  	[smem:$0x3F9D] =	sst s1;
	(tag) =	ssettag s2;
	_ =	strace s9  }
0x27: {  	s1 =	sld [smem:$0x3FAD]  }
0x28: {  	s2 =	sld [smem:$0x3FAE]  }
0x29: {  	s4 =	sld [smem:$0x3FB0]  }
0x2a: {  	p0 =	seq.s32 s5, $0x0;
	s5 =	sld [smem:$0x3FB1]  }
0x2b: {  	s6 =	sld [smem:$0x3FB2]  }
0x2c: {  	s7 =	sld [smem:$0x3FB3]  }
0x2d: {  	s3 =	simm.s32 $0x108;
	s8 =	sld [smem:$0x3FB4]  }
0x2e: {  	s3 =	simm.s32 @!p0 $0x1082;
	s9 =	sld [smem:$0x3FB5]  }
0x2f: {  	lr =	sadd.s32 s0, s3;
	s0 =	sld [smem:$0x3FAC]  }
0x30: {  	s3 =	sld [smem:$0x3FAF]  }
0x31: {  	[smem:$0x3FB8] =	sst s10  }
0x32: {  	s10 =	sld [smem:$0x3FB6];
	_ =	sdelay $0x3  }
0x33: {  	p0 =	seq.s32 s10, $0x1;
	s10 =	sld [smem:$0x3FB8];
	_ =	sdelay $0x3  }
0x34: {  	[smem:$0x3FB8] =	sst s10  }
0x35: {  	s10 =	sld [smem:$0x3FB7];
	_ =	sdelay $0x3  }
0x36: {  	p1 =	seq.s32 s10, $0x1;
	s10 =	sld [smem:$0x3FB8];
	_ =	sdelay $0x3  }
0x37: {  	[smem:$0x3FB8] =	sst s10  }
0x38: {  	s10 =	sld [smem:$0x3FB9]  }
0x39: {  	_ = 	snop;
	(pc) =	sbr.ind lr, $3  }
0x3a: {  	_ = 	snop  }
0x3b: {  	_ = 	snop  }
0x3c: {  	p2 =	seq.s32 s10, $0x1;
	s10 =	sld [smem:$0x3FB8]  }
0x3d: {  	_ =	shalt  }
0x3e: {  	_ =	shalt  }
0x3f: {  	_ =	shalt  }
0x40: {  	_ =	shalt  }
0x41: {  	_ =	shalt  }
0x42: {  	_ =	shalt  }
0x43: {  	_ =	shalt  }
0x44: {  	_ =	shalt  }
0x45: {  	_ =	shalt  }
0x46: {  	_ =	shalt  }
0x47: {  	_ =	shalt  }
0x48: {  	_ =	shalt  }
0x49: {  	_ =	shalt  }
0x4a: {  	_ =	shalt  }
0x4b: {  	_ =	shalt  }
0x4c: {  	_ =	shalt  }
0x4d: {  	_ =	shalt  }
0x4e: {  	_ =	shalt  }
0x4f: {  	_ =	shalt  }
0x50: {  	_ =	shalt  }
0x51: {  	_ =	shalt  }
0x52: {  	_ =	shalt  }
0x53: {  	_ =	shalt  }
0x54: {  	_ =	shalt  }
0x55: {  	_ =	shalt  }
0x56: {  	_ =	shalt  }
0x57: {  	_ =	shalt  }
0x58: {  	_ =	shalt  }
0x59: {  	_ =	shalt  }
0x5a: {  	_ =	shalt  }
0x5b: {  	_ =	shalt  }
0x5c: {  	_ =	shalt  }
0x5d: {  	_ =	shalt  }
0x5e: {  	_ =	shalt  }
0x5f: {  	_ =	shalt  }
0x60: {  	_ =	shalt  }
0x61: {  	_ =	shalt  }
0x62: {  	_ =	shalt  }
0x63: {  	_ =	shalt  }
0x64: {  	_ =	shalt  }
0x65: {  	_ =	shalt  }
0x66: {  	_ =	shalt  }
0x67: {  	_ =	shalt  }
0x68: {  	_ =	shalt  }
0x69: {  	_ =	shalt  }
0x6a: {  	_ =	shalt  }
0x6b: {  	_ =	shalt  }
0x6c: {  	_ =	shalt  }
0x6d: {  	_ =	shalt  }
0x6e: {  	_ =	shalt  }
0x6f: {  	_ =	shalt  }
0x70: {  	_ =	shalt  }
0x71: {  	_ =	shalt  }
0x72: {  	_ =	shalt  }
0x73: {  	_ =	shalt  }
0x74: {  	_ =	shalt  }
0x75: {  	_ =	shalt  }
0x76: {  	_ =	shalt  }
0x77: {  	_ =	shalt  }
0x78: {  	_ =	shalt  }
0x79: {  	_ =	shalt  }
0x7a: {  	_ =	shalt  }
0x7b: {  	_ =	shalt  }
0x7c: {  	_ =	shalt  }
0x7d: {  	_ =	shalt  }
0x7e: {  	_ =	shalt  }
0x7f: {  	_ =	shalt  }
0x80: {  	_ =	shalt  }
0x81: {  	_ =	shalt  }
0x82: {  	_ =	shalt  }
0x83: {  	_ =	shalt  }
0x84: {  	_ =	shalt  }
0x85: {  	_ =	shalt  }
0x86: {  	_ =	shalt  }
0x87: {  	_ =	shalt  }
.Lfunc_end0:
.L_simem_size_0:
called_computation.1_lowered:
.L_overlay_start_0:
0x88: {  	s2 =	sld [smem:$0x3FD9]  }
0x89: {  	s3 =	sld [smem:$0x3FFE];
	_ =	sdelay $0x1  }
0x8a: {  	s1 =	srdreg.scid  }
0x8b: {  	s0 =	sand.u32 $0x1, s1  }
0x8c: {  	s17 =	sshll.u32 s0, $0xA;
	s2 =	sadd.s32 s3, s2  }
0x8d: {  	s2 =	sadd.s32 s2, s17  }
0x8e: {  	[smem:$0x3FC4] =	sst s2  }
0x8f: {  	_ = 	snop  }
0x90: {  	s2 =	sld [smem:$0x3FD0];
	(tm) =	ssettm $0x1  }
0x91: {  	s18 =	sld [smem:$0x3FFB];
	_ =	sdelay $0x3  }
0x92: {  	_ =	strace s18  }
0x93: {  	s3 =	sld [smem:$0x3FFC];
	_ =	sdelay $0x3  }
0x94: {  	_ =	strace s3  }
0x95: {  	s3 =	sld [smem:$0x3FFD];
	_ =	sdelay $0x3  }
0x96: {  	_ =	strace s3  }
0x97: {  	_ =	strace $0x8FFFFFFF  }
0x98: {  	s19 =	sld [smem:$0x3FDB];
	_ =	sdelay $0x1  }
0x99: {  	s4 =	simm.s32 $_scs_section_size  }
0x9a: {  	s5 =	simm.s32 $_size__tile_overlayer_lowered;
	s6 =	simm.s32 $_tile_overlayer_lowered  }
0x9b: {  	s22 =	simm.s32 $0x1BFF;
	s21 =	sshll.u32 s6, $0x1;
	s3 =	sadd.s32 s4, s19  }
0x9c: {  	s7 =	simm.s32 $0x0;
	s20 =	sshll.u32 s5, $0x1;
	s5 =	sadd.s32 s21, s3  }
0x9d: {  	[timem:s7], [sflag:s22] =	dma.local [hbm:s5], s20  }
0x9e: {  	_ =	swait.ge [sflag:s22], s20  }
0x9f: {  	s4 =	ssub.s32 $0x0, s20;
	[sflag:s22] =	ssyncset.done $0x0  }
0xa0: {  	[sflag:s22] =	ssyncadd.s32 s4;
	_ =	sdelay $0x1  }
0xa1: {  	s23 =	simm.s32 $0x1B8B  }
0xa2: {  	_ =	swait.ge [sflag:s23], $0x1  }
0xa3: {  	[sflag:s23] =	ssyncset.done $0x0  }
0xa4: {  	s25 =	simm.s32 $0x1B8E;
	s24 =	sld [smem:$0x3FFE];
	[sflag:s23] =	ssyncadd.s32 $0xFFFFFFFF  }
0xa5: {  	s26 =	simm.s32 $execute0_lowered;
	[smem:$0x3FD2] =	sst s25  }
0xa6: {  	s5 =	sshll.u32 s26, $0x1;
	_ =	strace $0x80000049;
	[dreg:$0x1] =	wrdreg $0xFFFFFFFF  }
0xa7: {  	s28 =	simm.s32 $_size_execute0_lowered;
	s3 =	sadd.s32 s3, s5;
	[dreg:$0x0] =	wrdreg $0x0  }
0xa8: {  	s5 =	sshll.u32 s28, $0x1;
	[dreg:$0x2] =	wrdreg s3  }
0xa9: {  	[dreg:$0x3] =	wrdreg s5  }
0xaa: {  	[dreg:$0x4] =	wrdreg $0xC0  }
0xab: {  	_ =	task [dreg:s7], $0x5FFFF  }
0xac: {  	[dreg:$0x1] =	wrdreg $0xFFFFFFFF  }
0xad: {  	[dreg:$0x0] =	wrdreg $0x60  }
0xae: {  	[dreg:$0x2] =	wrdreg s2  }
0xaf: {  	[dreg:$0x3] =	wrdreg s24  }
0xb0: {  	[dreg:$0x4] =	wrdreg $0x7B400  }
0xb1: {  	[dreg:$0x5] =	wrdreg $0x9  }
0xb2: {  	_ =	task.clear_ibuf [dreg:s7], $0x6FFFF;
	_ =	strace $0x90000049  }
0xb3: {  	s29 =	simm.s32 $0x9;
	_ =	strace $0x8000004B  }
0xb4: {  	_ =	swait.ge [sflag:s29], $0x1  }
0xb5: {  	[sflag:s29] =	ssyncadd.s32 $0xFFFFFFFF  }
0xb6: {  	_ =	strace $0x9000004B  }
0xb7: {  	_ =	sfence  }
0xb8: {  	s30 =	sld [smem:$0x0];
	_ =	sdelay $0x2  }
0xb9: {  	s31 =	sshll.u32 s1, $0xD;
	s1 =	sshrl.u32 s1, $0x2  }
0xba: {  	s3 =	sand.u32 $0x4000, s31;
	s1 =	sadd.s32 s1, s30  }
0xbb: {  	s0 =	sor.u32 s3, s0;
	s1 =	sshll.u32 s1, $0x11  }
0xbc: {  	s0 =	sor.u32 s1, s0  }
0xbd: {  	s0 =	sadd.s32 $0x8F2B, s0  }
0xbe: {  	[sflag:s0] =	ssyncadd.remote.s32 $0x1  }
0xbf: {  	_ =	sfence.sel $0xFFFF  }
0xc0: {  	[dreg:$0x0] =	wrdreg $0xFFFFFFFF;
	(pc) =	sbr.abs _section_cstart, $3  }
0xc1: {  	[dreg:$0x1] =	wrdreg $0xFFFFFFFF  }
0xc2: {  	_ =	task.clear_ibuf [dreg:s7], $0x2FFFF;
	_ =	strace $0x9FFFFFFF  }
0xc3: {  	(tm) =	ssettm $0x7FFFFFFF  }
tec
execute0_lowered:
.L_overlay_start_1:
0x0: {  	(tag) =	ssettag $0x1  }
0x1: {  	s1 =	rddreg [dreg:$0x0]  }
0x2: {  	s0 =	rddreg [dreg:$0x1]  }
0x3: {  	s2 =	rddreg [dreg:$0x2]  }
0x4: {  	s3 =	srdreg.scid;
	s5 =	simm.s32 $0x0;
	s25 =	stileid.u32  }
0x5: {  	s28 =	simm.s32 $0x3;
	s29 =	simm.s32 $0x1;
	s21 =	smul.u32 $0x2800, s25  }
0x6: {  	s30 =	simm.s32 $0x7D;
	s31 =	simm.s32 $0x5000;
	s9 =	smul.u32 $0x9C00, s25  }
0x7: {  	s3 =	sand.u32 $0x1, s3;
	[smem:$0x7FF] =	sst s5;
	s10 =	smul.u32 $0x27000, s25  }
0x8: {  	s7 =	sadd.s32 $0x9C000, s2;
	p0 =	sne.s32 s25, $0xF;
	s4 =	smul.u32 $0x28000, s3  }
0x9: {  	_ =	strace $0x8000004A;
	s22 =	ssub.s32 $0x2, s3;
	s3 =	smul.u32 $0x9C400, s3  }
0xa: {  	s6 =	sshrl.u32 s22, $0x1;
	s26 =	sshrl.u32 s10, $0x2;
	s4 =	sadd.s32 s21, s4  }
0xb: {  	s11 =	ssub.s32 s22, s6;
	s8 =	sadd.s32 s9, s3;
	s4 =	sshrl.u32 s4, $0x3  }
0xc: {  	s3 =	sshrl.u32 s3, $0x3;
	s24 =	sshrl.u32 s8, $0x3;
	s4 =	sadd.s32 s4, s0  }
0xd: {  	s11 =	smax.u32 s11, $0x1;
	s0 =	sadd.s32 $0x15000, s0;
	s23 =	sadd.s32 $0xB000, s4  }
0xe: {  	s4 =	sadd.s32 $0x1000, s4;
	s8 =	sadd.s32 s0, s24;
	s24 =	sadd.s32 s9, s2  }
0xf: {  	s0 =	sadd.s32 s0, s3;
	s9 =	sadd.s32 s26, s2;
	[dreg:$0x4] =	wrdreg s23  }
0x10: {  	s26 =	simm.s32 $0x6F40;
	s3 =	simm.s32 $0x0;
	[dreg:$0x5] =	wrdreg s4  }
0x11: {  	s10 =	sadd.s32 $0x13800, s0;
	s12 =	sadd.s32 $0xC00, s9;
	s13 =	sadd.s32 $0x1800, s9  }
0x12: {  	s14 =	sadd.s32 $0x2400, s9;
	s15 =	sadd.s32 $0x3000, s9;
	s16 =	sadd.s32 $0x3C00, s9  }
0x13: {  	s17 =	sadd.s32 $0x4800, s9;
	s18 =	sadd.s32 $0x5400, s9;
	s19 =	sadd.s32 $0x6000, s9  }
0x14: {  	s20 =	sadd.s32 $0x6C00, s9;
	s21 =	sadd.s32 $0x7800, s9;
	s22 =	sadd.s32 $0x8400, s9  }
0x15: {  	v0 =	vimm.f32 $0.0e+00;
	s23 =	sadd.s32 $0x9000, s9;
	s25 =	sshrl.u32 s24, $0x3;
	s0 =	simm.s32 $0x2  }
.LBB2_1:
0x16: {  	s4 =	simm.s32 $0x0;
	s5 =	rddreg [dreg:$0x4]  }
0x17: {  	[tilespmem:s4], [sflag:$0x1] =	stream.linear.gather [hbm4b:s5+s4], $0x2800, $0x38;
	[tilespmem:$0x11780] =	vst v63  }
0x18: {  	s24 =	rddreg [dreg:$0x5];
	s6 =	simm.s32 $0x2800  }
0x19: {  	[tilespmem:s6], [sflag:$0x1] =	stream.linear.gather [hbm4b:s24+s4], $0x2800, $0x38;
	[tilespmem:$0x11780] =	vst v63  }
0x1a: {  	s4 =	simm.s32 $0x100;
	s24 =	simm.s32 $0x0  }
.LBB2_2:
0x1b: {  	p1 =	sne.s32 s4, $0x2F00;
	[tilespmem:s24+$0x6F70] =	vst v0;
	s5 =	smov.u32 s4;
	s4 =	sadd.s32 $0x100, s4  }
.Ltmp0:
0x1c: {  	[tilespmem:s24+$0x6F60] =	vst v0;
	(pc) =	sbr.rel @p1 .LBB2_2-.Ltmp0, $3  }
0x1d: {  	[tilespmem:s24+$0x6F40] =	vst v0  }
0x1e: {  	[tilespmem:s24+$0x6F50] =	vst v0;
	_ =	sdelay $0x1  }
0x1f: {  	s24 =	sshra.s32 s5, $0x2  }
0x20: {  	[tilespmem:s24+$0x6F70] =	vst v0  }
0x21: {  	[tilespmem:s24+$0x6F60] =	vst v0  }
0x22: {  	[tilespmem:s24+$0x6F40] =	vst v0  }
0x23: {  	[tilespmem:s24+$0x6F50] =	vst v0  }
0x24: {  	[spmem:s9] =	stream.linear.scatter [tilespmem:s26], [sflag:$0x3], $0xC00, $0x38;
	[tilespmem:$0x11780] =	vst v63  }
0x25: {  	_ =	swait.ge [sflag:s28], $0xC00  }
0x26: {  	[sflag:s28] =	ssyncset.done $0x0  }
0x27: {  	[sflag:s28] =	ssyncadd.s32 $0xFFFFF400  }
0x28: {  	[spmem:s12] =	stream.linear.scatter [tilespmem:s26], [sflag:$0x3], $0xC00, $0x38;
	[tilespmem:$0x11780] =	vst v63  }
0x29: {  	_ =	swait.ge [sflag:s28], $0xC00  }
0x2a: {  	[sflag:s28] =	ssyncset.done $0x0  }
0x2b: {  	[sflag:s28] =	ssyncadd.s32 $0xFFFFF400  }
0x2c: {  	[spmem:s13] =	stream.linear.scatter [tilespmem:s26], [sflag:$0x3], $0xC00, $0x38;
	[tilespmem:$0x11780] =	vst v63  }
0x2d: {  	_ =	swait.ge [sflag:s28], $0xC00  }
0x2e: {  	[sflag:s28] =	ssyncset.done $0x0  }
0x2f: {  	[sflag:s28] =	ssyncadd.s32 $0xFFFFF400  }
0x30: {  	[spmem:s14] =	stream.linear.scatter [tilespmem:s26], [sflag:$0x3], $0xC00, $0x38;
	[tilespmem:$0x11780] =	vst v63  }
0x31: {  	_ =	swait.ge [sflag:s28], $0xC00  }
0x32: {  	[sflag:s28] =	ssyncset.done $0x0  }
0x33: {  	[sflag:s28] =	ssyncadd.s32 $0xFFFFF400  }
0x34: {  	[spmem:s15] =	stream.linear.scatter [tilespmem:s26], [sflag:$0x3], $0xC00, $0x38;
	[tilespmem:$0x11780] =	vst v63  }
0x35: {  	_ =	swait.ge [sflag:s28], $0xC00  }
0x36: {  	[sflag:s28] =	ssyncset.done $0x0  }
0x37: {  	[sflag:s28] =	ssyncadd.s32 $0xFFFFF400  }
0x38: {  	[spmem:s16] =	stream.linear.scatter [tilespmem:s26], [sflag:$0x3], $0xC00, $0x38;
	[tilespmem:$0x11780] =	vst v63  }
0x39: {  	_ =	swait.ge [sflag:s28], $0xC00  }
0x3a: {  	[sflag:s28] =	ssyncset.done $0x0  }
0x3b: {  	[sflag:s28] =	ssyncadd.s32 $0xFFFFF400  }
0x3c: {  	[spmem:s17] =	stream.linear.scatter [tilespmem:s26], [sflag:$0x3], $0xC00, $0x38;
	[tilespmem:$0x11780] =	vst v63  }
0x3d: {  	_ =	swait.ge [sflag:s28], $0xC00  }
0x3e: {  	[sflag:s28] =	ssyncset.done $0x0  }
0x3f: {  	[sflag:s28] =	ssyncadd.s32 $0xFFFFF400  }
0x40: {  	[spmem:s18] =	stream.linear.scatter [tilespmem:s26], [sflag:$0x3], $0xC00, $0x38;
	[tilespmem:$0x11780] =	vst v63  }
0x41: {  	_ =	swait.ge [sflag:s28], $0xC00  }
0x42: {  	[sflag:s28] =	ssyncset.done $0x0  }
0x43: {  	[sflag:s28] =	ssyncadd.s32 $0xFFFFF400  }
0x44: {  	[spmem:s19] =	stream.linear.scatter [tilespmem:s26], [sflag:$0x3], $0xC00, $0x38;
	[tilespmem:$0x11780] =	vst v63  }
0x45: {  	_ =	swait.ge [sflag:s28], $0xC00  }
0x46: {  	[sflag:s28] =	ssyncset.done $0x0  }
0x47: {  	[sflag:s28] =	ssyncadd.s32 $0xFFFFF400  }
0x48: {  	[spmem:s20] =	stream.linear.scatter [tilespmem:s26], [sflag:$0x3], $0xC00, $0x38;
	[tilespmem:$0x11780] =	vst v63  }
0x49: {  	_ =	swait.ge [sflag:s28], $0xC00  }
0x4a: {  	[sflag:s28] =	ssyncset.done $0x0  }
0x4b: {  	[sflag:s28] =	ssyncadd.s32 $0xFFFFF400  }
0x4c: {  	[spmem:s21] =	stream.linear.scatter [tilespmem:s26], [sflag:$0x3], $0xC00, $0x38;
	[tilespmem:$0x11780] =	vst v63  }
0x4d: {  	_ =	swait.ge [sflag:s28], $0xC00  }
0x4e: {  	[sflag:s28] =	ssyncset.done $0x0  }
0x4f: {  	[sflag:s28] =	ssyncadd.s32 $0xFFFFF400  }
0x50: {  	[spmem:s22] =	stream.linear.scatter [tilespmem:s26], [sflag:$0x3], $0xC00, $0x38;
	[tilespmem:$0x11780] =	vst v63  }
0x51: {  	_ =	swait.ge [sflag:s28], $0xC00  }
0x52: {  	[sflag:s28] =	ssyncset.done $0x0  }
0x53: {  	[sflag:s28] =	ssyncadd.s32 $0xFFFFF400  }
0x54: {  	[spmem:s23] =	stream.linear.scatter [tilespmem:s26], [sflag:$0x3], $0xC00, $0x38;
	[tilespmem:$0x11780] =	vst v63  }
0x55: {  	_ =	swait.ge [sflag:s28], $0xC00  }
0x56: {  	[sflag:s28] =	ssyncset.done $0x0  }
0x57: {  	s4 =	simm.s32 @!p0 $0x6F40;
	[sflag:s28] =	ssyncadd.s32 $0xFFFFF400  }
0x58: {  	[spmem:s7] =	stream.linear.scatter @!p0 [tilespmem:s4], [sflag:$0x3], $0x400, $0x38;
	[tilespmem:$0x11780] =	vst v63  }
0x59: {  	s4 =	simm.s32 @!p0 $0x3  }
0x5a: {  	_ =	swait.ge @!p0 [sflag:s4], $0x400  }
0x5b: {  	[sflag:s4] =	ssyncset.done @!p0 $0x0  }
0x5c: {  	[sflag:s4] =	ssyncadd.s32 @!p0 $0xFFFFFC00  }
0x5d: {  	_ =	swait.ge [sflag:s29], $0x2800  }
0x5e: {  	[sflag:s29] =	ssyncset.done $0x0  }
0x5f: {  	[sflag:s29] =	ssyncadd.s32 $0xFFFFD800  }
0x60: {  	_ =	swait.ge [sflag:s29], $0x2800  }
0x61: {  	[sflag:s29] =	ssyncset.done $0x0  }
0x62: {  	[sflag:s29] =	ssyncadd.s32 $0xFFFFD800  }
0x63: {  	s6 =	simm.s32 $0x0;
	[bflag:$0x0] =	sbarrier.arrive $0xFFFF  }
0x64: {  	[tilespmem:s31], [sflag:$0x2] =	stream.indirect.gather [hbm4b:s1+s30], $0x40, s6, s30, $0xb8;
	[tilespmem:$0x11780] =	vst v63  }
0x65: {  	_ =	swait.ge [sflag:s0], $0x1F40  }
0x66: {  	[sflag:s0] =	ssyncset.done $0x0  }
0x67: {  	s24 =	simm.s32 $0x2800;
	[sflag:s0] =	ssyncadd.s32 $0xFFFFE0C0  }
0x68: {  	[spmem:s2] =	stream.indirect.scatter.add.f32 [tilespmem:s31], [sflag:$0x3], $0x40, s24, s30, $0xb8;
	[tilespmem:$0x11780] =	vst v63  }
0x69: {  	_ =	swait.ge [sflag:s28], $0x1F40  }
0x6a: {  	s4 =	simm.s32 $0x400;
	s24 =	simm.s32 $0x200;
	[sflag:s28] =	ssyncset.done $0x0  }
.LBB2_4:
0x6b: {  	s5 =	sshra.s32 s24, $0x2  }
0x6c: {  	[sflag:s28] =	ssyncadd.s32 $0xFFFFE0C0;
	s24 =	smov.u32 s4;
	s6 =	sadd.s32 $0x200, s4  }
0x6d: {  	[tilespmem:s31], [sflag:$0x2] =	stream.indirect.gather [hbm4b:s1+s30], $0x40, s5, s30, $0xb8;
	[tilespmem:$0x11780] =	vst v63  }
0x6e: {  	p1 =	sne.s32 s4, $0x9E00;
	_ =	swait.ge [sflag:s0], $0x1F40  }
.Ltmp1:
0x6f: {  	[sflag:s0] =	ssyncset.done $0x0;
	(pc) =	sbr.rel @p1 .LBB2_4-.Ltmp1, $4  }
0x70: {  	s4 =	sadd.s32 $0x2800, s5;
	[sflag:s0] =	ssyncadd.s32 $0xFFFFE0C0  }
0x71: {  	[spmem:s2] =	stream.indirect.scatter.add.f32 [tilespmem:s31], [sflag:$0x3], $0x40, s4, s30, $0xb8;
	[tilespmem:$0x11780] =	vst v63  }
0x72: {  	_ =	swait.ge [sflag:s28], $0x1F40  }
0x73: {  	s4 =	smov.u32 s6;
	[sflag:s28] =	ssyncset.done $0x0  }
0x74: {  	s4 =	sshra.s32 s24, $0x2;
	[sflag:s28] =	ssyncadd.s32 $0xFFFFE0C0  }
0x75: {  	[tilespmem:s31], [sflag:$0x2] =	stream.indirect.gather [hbm4b:s1+s30], $0x40, s4, s30, $0xb8;
	[tilespmem:$0x11780] =	vst v63  }
0x76: {  	_ =	swait.ge [sflag:s0], $0x1F40  }
0x77: {  	[sflag:s0] =	ssyncset.done $0x0  }
0x78: {  	s4 =	sadd.s32 $0x2800, s4;
	[sflag:s0] =	ssyncadd.s32 $0xFFFFE0C0  }
0x79: {  	[spmem:s2] =	stream.indirect.scatter.add.f32 [tilespmem:s31], [sflag:$0x3], $0x40, s4, s30, $0xb8;
	[tilespmem:$0x11780] =	vst v63  }
0x7a: {  	_ =	swait.ge [sflag:s28], $0x1F40  }
0x7b: {  	s24 =	stileid.u32;
	[sflag:s28] =	ssyncset.done $0x0  }
0x7c: {  	s4 =	sshll.u32 s24, $0x6;
	[sflag:s28] =	ssyncadd.s32 $0xFFFFE0C0  }
0x7d: {  	s4 =	sor.u32 $0x1C03, s4;
	[bflag:$0x0] =	sbarrier.arrive $0xFFFF  }
0x7e: {  	[hbm:s8], [sflag:s4] =	dma.local [spmem:s25], $0x1380  }
0x7f: {  	_ =	swait.ge [sflag:s28], $0x1380  }
0x80: {  	s3 =	sadd.s32 $0x1, s3;
	[sflag:s28] =	ssyncset.done $0x0  }
0x81: {  	s5 =	sshrl.u32 @!p0 s7, $0x3;
	p1 =	sne.s32 s3, s11;
	[sflag:s28] =	ssyncadd.s32 $0xFFFFEC80  }
0x82: {  	[hbm:s10], [sflag:s4] =	dma.local @!p0 [spmem:s5], $0x80  }
.Ltmp2:
0x83: {  	_ = 	snop;
	(pc) =	sbr.rel @p1 .LBB2_1-.Ltmp2, $4  }
0x84: {  	s4 =	simm.s32 @!p0 $0x3  }
0x85: {  	_ =	swait.ge @!p0 [sflag:s4], $0x80  }
0x86: {  	[sflag:s4] =	ssyncset.done @!p0 $0x0  }
0x87: {  	[sflag:s4] =	ssyncadd.s32 @!p0 $0xFFFFFF80  }
0x88: {  	_ =	sfence.sel $0x180000  }
0x89: {  	[bflag:$0x0] =	sbarrier.arrive $0xFFFF  }
0x8a: {  	_ =	strace $0x9000004A  }
0x8b: {  	s0 =	stileid.u32;
	[bflag:$0x2] =	sbarrier.arrive $0xFFFF  }
0x8c: {  	p0 =	sne.s32 s0, $0x0;
	s0 =	rddreg [dreg:$0x3]  }
0x8d: {  	s0 =	sadd.s32 @!p0 $0x100000, s0  }
0x8e: {  	[sflag:s0] =	ssyncadd.tile.s32 @!p0 $0x1;
	_ =	shalt  }
.Lfunc_end2:
_tile_overlayer_lowered:
.L_overlay_start_2:
0x8f: {  	(tag) =	ssettag $0x2  }
0x90: {  	s0 =	rddreg [dreg:$0x0];
	s2 =	stileid.u32  }
0x91: {  	s1 =	rddreg [dreg:$0x1];
	p0 =	sne.s32 s2, $0x0  }
0x92: {  	s3 =	rddreg [dreg:$0x2];
	[bflag:$0x3] =	sbarrier.arrive $0xFFFF;
	s2 =	simm.s32 @!p0 $0x1C03  }
0x93: {  	[timem:s3], [sflag:s2] =	dma.local @!p0 [hbm:s0], s1  }
0x94: {  	s0 =	simm.s32 @!p0 $0x3  }
0x95: {  	_ =	swait.ge @!p0 [sflag:s0], s1  }
0x96: {  	s1 =	ssub.s32 @!p0 $0x0, s1;
	[sflag:s0] =	ssyncset.done @!p0 $0x0  }
0x97: {  	[sflag:s0] =	ssyncadd.s32 @!p0 s1  }
0x98: {  	[bflag:$0x3] =	sbarrier.arrive $0xFFFF  }
0x99: {  	_ =	shalt  }

// kernel: kernel.7.cloned.1.call-start
scs
__scs_entry_jumppad:
0x0: {  	(pc) =	sbr.rel $0x88, $3  }
0x1: {  	(tag) =	ssettag $0x0;
	lr =	simm.s32 $0x1  }
0x2: {  	[smem:$0x3F9D] =	sst lr;
	_ =	strace $0xD0000000  }
0x3: {  	_ = 	snop  }
0x4: {  	_ = 	snop  }
0x5: {  	_ = 	snop  }
0x6: {  	_ = 	snop  }
0x7: {  	_ = 	snop  }
__scs_overlays_trampoline_lowered:
0x8: {  	[smem:$0x3FAC] =	sst s0  }
0x9: {  	[smem:$0x3FAD] =	sst s1  }
0xa: {  	[smem:$0x3FAE] =	sst s2  }
0xb: {  	[smem:$0x3FAF] =	sst s3  }
0xc: {  	[smem:$0x3FB0] =	sst s4  }
0xd: {  	[smem:$0x3FB1] =	sst s5  }
0xe: {  	[smem:$0x3FB2] =	sst s6  }
0xf: {  	[smem:$0x3FB3] =	sst s7  }
0x10: {  	[smem:$0x3FB4] =	sst s8  }
0x11: {  	[smem:$0x3FB5] =	sst s9;
	s0 =	simm.s32 @!p0 $0x0  }
0x12: {  	s1 =	sld [smem:$0x3F9B];
	s0 =	simm.s32 @p0 $0x1  }
0x13: {  	[smem:$0x3FB6] =	sst s0;
	s0 =	simm.s32 @!p1 $0x0  }
0x14: {  	s2 =	sld [smem:$0x3F9A];
	s0 =	simm.s32 @p1 $0x1  }
0x15: {  	[smem:$0x3FB7] =	sst s0;
	s0 =	simm.s32 @!p2 $0x0  }
0x16: {  	s3 =	sld [smem:$0x3FDB];
	s0 =	simm.s32 @p2 $0x1  }
0x17: {  	s4 =	simm.s32 $0x1BF5;
	[smem:$0x3FB9] =	sst s0  }
0x18: {  	s0 =	sld [smem:$0x3F9C];
	_ =	swait.ge [sflag:s4], $0x0  }
0x19: {  	s7 =	sld [smem:$0x3F9D]  }
0x1a: {  	s8 =	sadd.s32 $0xFFFFE003, lr  }
0x1b: {  	s9 =	sadd.s32 $0xFFFFFEF7, lr;
	s5 =	simm.s32 $0xFFFFFFFF;
	p2 =	slt.u32 s8, $0xFFFFF086  }
0x1c: {  	p1 =	slt.u32 s9, $0xF7A;
	s5 =	simm.s32 @!p2 $0x0  }
0x1d: {  	s5 =	simm.s32 @p1 $0x1;
	p0 =	seq.s32 s7, s2  }
0x1e: {  	s7 =	smul.u32 @!p0 $0xF7A, s2;
	p2 =	seq.s32 @!p0 s5, $0x0  }
0x1f: {  	s9 =	smul.u32 $0xF7A, s1;
	s8 =	simm.s32 @!p0 $0x1BF5;
	p2 =	por !p2, p0  }
0x20: {  	[sflag:s8] =	ssyncset.s32 @!p0 $0xFFFFF086;
	s6 =	sadd.s32 @!p0 s3, s7;
	s7 =	simm.s32 @!p0 $0x108  }
0x21: {  	s3 =	sadd.s32 s3, s9;
	s6 =	sadd.s32 @!p0 $0x88, s6;
	s7 =	simm.s32 @p2 $0x1082  }
0x22: {  	[simem:s7], [sflag:s8] =	dma.local @!p0 [hbm:s6], $0xF7A  }
0x23: {  	s9 =	sor.u32 $0xD0000000, s2;
	s6 =	simm.s32 $0x108;
	_ =	swait.ge @!p0 [sflag:s8], $0x0  }
0x24: {  	s3 =	sadd.s32 $0x88, s3;
	s6 =	simm.s32 @!p1 $0x1082;
	[sflag:s4] =	ssyncset.s32 $0xFFFFF086  }
0x25: {  	[simem:s6], [sflag:s4] =	dma.local [hbm:s3], $0xF7A  }
0x26: {  	[smem:$0x3F9D] =	sst s1;
	(tag) =	ssettag s2;
	_ =	strace s9  }
0x27: {  	s1 =	sld [smem:$0x3FAD]  }
0x28: {  	s2 =	sld [smem:$0x3FAE]  }
0x29: {  	s4 =	sld [smem:$0x3FB0]  }
0x2a: {  	p0 =	seq.s32 s5, $0x0;
	s5 =	sld [smem:$0x3FB1]  }
0x2b: {  	s6 =	sld [smem:$0x3FB2]  }
0x2c: {  	s7 =	sld [smem:$0x3FB3]  }
0x2d: {  	s3 =	simm.s32 $0x108;
	s8 =	sld [smem:$0x3FB4]  }
0x2e: {  	s3 =	simm.s32 @!p0 $0x1082;
	s9 =	sld [smem:$0x3FB5]  }
0x2f: {  	lr =	sadd.s32 s0, s3;
	s0 =	sld [smem:$0x3FAC]  }
0x30: {  	s3 =	sld [smem:$0x3FAF]  }
0x31: {  	[smem:$0x3FB8] =	sst s10  }
0x32: {  	s10 =	sld [smem:$0x3FB6];
	_ =	sdelay $0x3  }
0x33: {  	p0 =	seq.s32 s10, $0x1;
	s10 =	sld [smem:$0x3FB8];
	_ =	sdelay $0x3  }
0x34: {  	[smem:$0x3FB8] =	sst s10  }
0x35: {  	s10 =	sld [smem:$0x3FB7];
	_ =	sdelay $0x3  }
0x36: {  	p1 =	seq.s32 s10, $0x1;
	s10 =	sld [smem:$0x3FB8];
	_ =	sdelay $0x3  }
0x37: {  	[smem:$0x3FB8] =	sst s10  }
0x38: {  	s10 =	sld [smem:$0x3FB9]  }
0x39: {  	_ = 	snop;
	(pc) =	sbr.ind lr, $3  }
0x3a: {  	_ = 	snop  }
0x3b: {  	_ = 	snop  }
0x3c: {  	p2 =	seq.s32 s10, $0x1;
	s10 =	sld [smem:$0x3FB8]  }
0x3d: {  	_ =	shalt  }
0x3e: {  	_ =	shalt  }
0x3f: {  	_ =	shalt  }
0x40: {  	_ =	shalt  }
0x41: {  	_ =	shalt  }
0x42: {  	_ =	shalt  }
0x43: {  	_ =	shalt  }
0x44: {  	_ =	shalt  }
0x45: {  	_ =	shalt  }
0x46: {  	_ =	shalt  }
0x47: {  	_ =	shalt  }
0x48: {  	_ =	shalt  }
0x49: {  	_ =	shalt  }
0x4a: {  	_ =	shalt  }
0x4b: {  	_ =	shalt  }
0x4c: {  	_ =	shalt  }
0x4d: {  	_ =	shalt  }
0x4e: {  	_ =	shalt  }
0x4f: {  	_ =	shalt  }
0x50: {  	_ =	shalt  }
0x51: {  	_ =	shalt  }
0x52: {  	_ =	shalt  }
0x53: {  	_ =	shalt  }
0x54: {  	_ =	shalt  }
0x55: {  	_ =	shalt  }
0x56: {  	_ =	shalt  }
0x57: {  	_ =	shalt  }
0x58: {  	_ =	shalt  }
0x59: {  	_ =	shalt  }
0x5a: {  	_ =	shalt  }
0x5b: {  	_ =	shalt  }
0x5c: {  	_ =	shalt  }
0x5d: {  	_ =	shalt  }
0x5e: {  	_ =	shalt  }
0x5f: {  	_ =	shalt  }
0x60: {  	_ =	shalt  }
0x61: {  	_ =	shalt  }
0x62: {  	_ =	shalt  }
0x63: {  	_ =	shalt  }
0x64: {  	_ =	shalt  }
0x65: {  	_ =	shalt  }
0x66: {  	_ =	shalt  }
0x67: {  	_ =	shalt  }
0x68: {  	_ =	shalt  }
0x69: {  	_ =	shalt  }
0x6a: {  	_ =	shalt  }
0x6b: {  	_ =	shalt  }
0x6c: {  	_ =	shalt  }
0x6d: {  	_ =	shalt  }
0x6e: {  	_ =	shalt  }
0x6f: {  	_ =	shalt  }
0x70: {  	_ =	shalt  }
0x71: {  	_ =	shalt  }
0x72: {  	_ =	shalt  }
0x73: {  	_ =	shalt  }
0x74: {  	_ =	shalt  }
0x75: {  	_ =	shalt  }
0x76: {  	_ =	shalt  }
0x77: {  	_ =	shalt  }
0x78: {  	_ =	shalt  }
0x79: {  	_ =	shalt  }
0x7a: {  	_ =	shalt  }
0x7b: {  	_ =	shalt  }
0x7c: {  	_ =	shalt  }
0x7d: {  	_ =	shalt  }
0x7e: {  	_ =	shalt  }
0x7f: {  	_ =	shalt  }
0x80: {  	_ =	shalt  }
0x81: {  	_ =	shalt  }
0x82: {  	_ =	shalt  }
0x83: {  	_ =	shalt  }
0x84: {  	_ =	shalt  }
0x85: {  	_ =	shalt  }
0x86: {  	_ =	shalt  }
0x87: {  	_ =	shalt  }
.Lfunc_end0:
.L_simem_size_0:
called_computation_lowered:
.L_overlay_start_0:
0x88: {  	s2 =	sld [smem:$0x3FD9]  }
0x89: {  	s3 =	sld [smem:$0x3FFE];
	_ =	sdelay $0x1  }
0x8a: {  	s1 =	srdreg.scid  }
0x8b: {  	s0 =	sand.u32 $0x1, s1  }
0x8c: {  	s16 =	sshll.u32 s0, $0xA;
	s2 =	sadd.s32 s3, s2  }
0x8d: {  	s2 =	sadd.s32 s2, s16  }
0x8e: {  	[smem:$0x3FC4] =	sst s2  }
0x8f: {  	_ = 	snop  }
0x90: {  	(tm) =	ssettm $0x1  }
0x91: {  	s17 =	sld [smem:$0x3FFB];
	_ =	sdelay $0x3  }
0x92: {  	_ =	strace s17  }
0x93: {  	s2 =	sld [smem:$0x3FFC];
	_ =	sdelay $0x3  }
0x94: {  	_ =	strace s2  }
0x95: {  	s2 =	sld [smem:$0x3FFD];
	_ =	sdelay $0x3  }
0x96: {  	_ =	strace s2  }
0x97: {  	_ =	strace $0x8FFFFFFF  }
0x98: {  	s18 =	sld [smem:$0x3FDB];
	_ =	sdelay $0x1  }
0x99: {  	s19 =	simm.s32 $_scs_section_size  }
0x9a: {  	s4 =	simm.s32 $_size__tile_overlayer_lowered;
	s5 =	simm.s32 $_tile_overlayer_lowered  }
0x9b: {  	s22 =	simm.s32 $0x1BFF;
	s21 =	sshll.u32 s5, $0x1;
	s2 =	sadd.s32 s19, s18  }
0x9c: {  	s6 =	simm.s32 $0x0;
	s20 =	sshll.u32 s4, $0x1;
	s4 =	sadd.s32 s21, s2  }
0x9d: {  	[timem:s6], [sflag:s22] =	dma.local [hbm:s4], s20  }
0x9e: {  	_ =	swait.ge [sflag:s22], s20  }
0x9f: {  	s3 =	ssub.s32 $0x0, s20;
	[sflag:s22] =	ssyncset.done $0x0  }
0xa0: {  	[sflag:s22] =	ssyncadd.s32 s3;
	_ =	sdelay $0x1  }
0xa1: {  	s23 =	simm.s32 $0x1B8B  }
0xa2: {  	_ =	swait.ge [sflag:s23], $0x1  }
0xa3: {  	[sflag:s23] =	ssyncset.done $0x0  }
0xa4: {  	s25 =	simm.s32 $0x1B8E;
	s24 =	sld [smem:$0x3FFE];
	[sflag:s23] =	ssyncadd.s32 $0xFFFFFFFF  }
0xa5: {  	s26 =	simm.s32 $execute0_lowered;
	[smem:$0x3FD2] =	sst s25  }
0xa6: {  	s4 =	sshll.u32 s26, $0x1;
	_ =	strace $0x80000046;
	[dreg:$0x1] =	wrdreg $0xFFFFFFFF  }
0xa7: {  	s28 =	simm.s32 $_size_execute0_lowered;
	s2 =	sadd.s32 s2, s4;
	[dreg:$0x0] =	wrdreg $0x0  }
0xa8: {  	s4 =	sshll.u32 s28, $0x1;
	[dreg:$0x2] =	wrdreg s2  }
0xa9: {  	[dreg:$0x3] =	wrdreg s4  }
0xaa: {  	[dreg:$0x4] =	wrdreg $0xC0  }
0xab: {  	_ =	task [dreg:s6], $0x5FFFF  }
0xac: {  	[dreg:$0x1] =	wrdreg $0xFFFFFFFF  }
0xad: {  	[dreg:$0x0] =	wrdreg $0x60  }
0xae: {  	[dreg:$0x2] =	wrdreg s24  }
0xaf: {  	[dreg:$0x3] =	wrdreg $0xA6800  }
0xb0: {  	[dreg:$0x4] =	wrdreg $0x9  }
0xb1: {  	_ =	task.clear_ibuf [dreg:s6], $0x5FFFF;
	_ =	strace $0x90000046  }
0xb2: {  	s29 =	simm.s32 $0x9;
	_ =	strace $0x80000048  }
0xb3: {  	_ =	swait.ge [sflag:s29], $0x1  }
0xb4: {  	[sflag:s29] =	ssyncadd.s32 $0xFFFFFFFF  }
0xb5: {  	_ =	strace $0x90000048  }
0xb6: {  	_ =	sfence  }
0xb7: {  	s30 =	sld [smem:$0x0];
	_ =	sdelay $0x2  }
0xb8: {  	s31 =	sshll.u32 s1, $0xD;
	s1 =	sshrl.u32 s1, $0x2  }
0xb9: {  	s3 =	sand.u32 $0x4000, s31;
	s1 =	sadd.s32 s1, s30  }
0xba: {  	s0 =	sor.u32 s3, s0;
	s1 =	sshll.u32 s1, $0x11  }
0xbb: {  	s0 =	sor.u32 s1, s0  }
0xbc: {  	s0 =	sadd.s32 $0x8F2B, s0  }
0xbd: {  	[sflag:s0] =	ssyncadd.remote.s32 $0x1  }
0xbe: {  	_ =	sfence.sel $0xFFFF  }
0xbf: {  	[dreg:$0x0] =	wrdreg $0xFFFFFFFF;
	(pc) =	sbr.abs _section_cstart, $3  }
0xc0: {  	[dreg:$0x1] =	wrdreg $0xFFFFFFFF  }
0xc1: {  	_ =	task.clear_ibuf [dreg:s6], $0x2FFFF;
	_ =	strace $0x9FFFFFFF  }
0xc2: {  	(tm) =	ssettm $0x7FFFFFFF  }
0xc3: {  	_ =	shalt  }
tec
execute0_lowered:
.L_overlay_start_1:
0x0: {  	(tag) =	ssettag $0x1  }
0x1: {  	s0 =	rddreg [dreg:$0x0]  }
0x2: {  	s1 =	rddreg [dreg:$0x1];
	s2 =	srdreg.scid  }
0x3: {  	s4 =	simm.s32 $0x0;
	s25 =	stileid.u32;
	s28 =	simm.s32 $0x3  }
0x4: {  	s29 =	simm.s32 $0x1;
	s30 =	simm.s32 $0x7D;
	s5 =	smul.u32 $0x2800, s25  }
0x5: {  	s31 =	simm.s32 $0x5000;
	s2 =	sand.u32 $0x1, s2;
	s9 =	smul.u32 $0x13800, s25  }
0x6: {  	[smem:$0x7FF] =	sst s4;
	s4 =	sadd.s32 $0x15000, s0;
	s10 =	smul.u32 $0x4E000, s25  }
0x7: {  	s7 =	sadd.s32 $0x138000, s1;
	p0 =	sne.s32 s25, $0xF;
	s3 =	smul.u32 $0x28000, s2  }
0x8: {  	_ =	strace $0x80000047;
	s22 =	ssub.s32 $0x2, s2;
	s2 =	smul.u32 $0x138800, s2  }
0x9: {  	s6 =	sshrl.u32 s22, $0x1;
	s26 =	sshrl.u32 s10, $0x2;
	s3 =	sadd.s32 s5, s3  }
0xa: {  	s11 =	ssub.s32 s22, s6;
	s8 =	sadd.s32 s9, s2;
	s3 =	sshrl.u32 s3, $0x3  }
0xb: {  	s2 =	sshrl.u32 s2, $0x3;
	s24 =	sshrl.u32 s8, $0x3;
	s3 =	sadd.s32 s3, s0  }
0xc: {  	s11 =	smax.u32 s11, $0x1;
	s0 =	sadd.s32 $0x3C200, s0;
	s23 =	sadd.s32 $0xB000, s3  }
0xd: {  	s3 =	sadd.s32 $0x1000, s3;
	s8 =	sadd.s32 s0, s24;
	s24 =	sadd.s32 s9, s1  }
0xe: {  	s0 =	sadd.s32 s0, s2;
	s9 =	sadd.s32 s26, s1;
	[dreg:$0x3] =	wrdreg s23  }
0xf: {  	s26 =	simm.s32 $0x8E80;
	s2 =	simm.s32 $0x0;
	[dreg:$0x4] =	wrdreg s3  }
0x10: {  	s10 =	sadd.s32 $0x27000, s0;
	s12 =	sadd.s32 $0x1800, s9;
	s13 =	sadd.s32 $0x3000, s9  }
0x11: {  	s14 =	sadd.s32 $0x4800, s9;
	s15 =	sadd.s32 $0x6000, s9;
	s16 =	sadd.s32 $0x7800, s9  }
0x12: {  	s17 =	sadd.s32 $0x9000, s9;
	s18 =	sadd.s32 $0xA800, s9;
	s19 =	sadd.s32 $0xC000, s9  }
0x13: {  	s20 =	sadd.s32 $0xD800, s9;
	s21 =	sadd.s32 $0xF000, s9;
	s22 =	sadd.s32 $0x10800, s9  }
0x14: {  	v0 =	vimm.f32 $0.0e+00;
	s23 =	sadd.s32 $0x12000, s9;
	s25 =	sshrl.u32 s24, $0x3;
	s0 =	simm.s32 $0x2  }
.LBB2_1:
0x15: {  	s3 =	simm.s32 $0x0;
	s5 =	rddreg [dreg:$0x3]  }
0x16: {  	[tilespmem:s3], [sflag:$0x1] =	stream.linear.gather [hbm4b:s5+s3], $0x2800, $0x38;
	[tilespmem:$0x1DF00] =	vst v63  }
0x17: {  	s24 =	rddreg [dreg:$0x4];
	s6 =	simm.s32 $0x2800  }
0x18: {  	[tilespmem:s6], [sflag:$0x1] =	stream.linear.gather [hbm4b:s24+s3], $0x2800, $0x38;
	[tilespmem:$0x1DF00] =	vst v63  }
0x19: {  	s24 =	simm.s32 $0x0;
	s3 =	simm.s32 $0x200  }
.LBB2_2:
0x1a: {  	p1 =	sne.s32 s3, $0x5E00;
	[tilespmem:s24+$0x8EF0] =	vst v0  }
0x1b: {  	[tilespmem:s24+$0x8E80] =	vst v0  }
0x1c: {  	[tilespmem:s24+$0x8E90] =	vst v0  }
.Ltmp0:
0x1d: {  	[tilespmem:s24+$0x8EA0] =	vst v0;
	(pc) =	sbr.rel @p1 .LBB2_2-.Ltmp0, $4  }
0x1e: {  	[tilespmem:s24+$0x8EB0] =	vst v0  }
0x1f: {  	[tilespmem:s24+$0x8EC0] =	vst v0  }
0x20: {  	[tilespmem:s24+$0x8ED0] =	vst v0  }
0x21: {  	[tilespmem:s24+$0x8EE0] =	vst v0;
	s24 =	sshra.s32 s3, $0x2;
	s3 =	sadd.s32 $0x200, s3  }
0x22: {  	[tilespmem:s24+$0x8EF0] =	vst v0  }
0x23: {  	[tilespmem:s24+$0x8E80] =	vst v0  }
0x24: {  	[tilespmem:s24+$0x8E90] =	vst v0  }
0x25: {  	[tilespmem:s24+$0x8EA0] =	vst v0  }
0x26: {  	[tilespmem:s24+$0x8EB0] =	vst v0  }
0x27: {  	[tilespmem:s24+$0x8EC0] =	vst v0  }
0x28: {  	[tilespmem:s24+$0x8ED0] =	vst v0  }
0x29: {  	[tilespmem:s24+$0x8EE0] =	vst v0  }
0x2a: {  	[spmem:s9] =	stream.linear.scatter [tilespmem:s26], [sflag:$0x3], $0x1800, $0x38;
	[tilespmem:$0x1DF00] =	vst v63  }
0x2b: {  	_ =	swait.ge [sflag:s28], $0x1800  }
0x2c: {  	[sflag:s28] =	ssyncset.done $0x0  }
0x2d: {  	[sflag:s28] =	ssyncadd.s32 $0xFFFFE800  }
0x2e: {  	[spmem:s12] =	stream.linear.scatter [tilespmem:s26], [sflag:$0x3], $0x1800, $0x38;
	[tilespmem:$0x1DF00] =	vst v63  }
0x2f: {  	_ =	swait.ge [sflag:s28], $0x1800  }
0x30: {  	[sflag:s28] =	ssyncset.done $0x0  }
0x31: {  	[sflag:s28] =	ssyncadd.s32 $0xFFFFE800  }
0x32: {  	[spmem:s13] =	stream.linear.scatter [tilespmem:s26], [sflag:$0x3], $0x1800, $0x38;
	[tilespmem:$0x1DF00] =	vst v63  }
0x33: {  	_ =	swait.ge [sflag:s28], $0x1800  }
0x34: {  	[sflag:s28] =	ssyncset.done $0x0  }
0x35: {  	[sflag:s28] =	ssyncadd.s32 $0xFFFFE800  }
0x36: {  	[spmem:s14] =	stream.linear.scatter [tilespmem:s26], [sflag:$0x3], $0x1800, $0x38;
	[tilespmem:$0x1DF00] =	vst v63  }
0x37: {  	_ =	swait.ge [sflag:s28], $0x1800  }
0x38: {  	[sflag:s28] =	ssyncset.done $0x0  }
0x39: {  	[sflag:s28] =	ssyncadd.s32 $0xFFFFE800  }
0x3a: {  	[spmem:s15] =	stream.linear.scatter [tilespmem:s26], [sflag:$0x3], $0x1800, $0x38;
	[tilespmem:$0x1DF00] =	vst v63  }
0x3b: {  	_ =	swait.ge [sflag:s28], $0x1800  }
0x3c: {  	[sflag:s28] =	ssyncset.done $0x0  }
0x3d: {  	[sflag:s28] =	ssyncadd.s32 $0xFFFFE800  }
0x3e: {  	[spmem:s16] =	stream.linear.scatter [tilespmem:s26], [sflag:$0x3], $0x1800, $0x38;
	[tilespmem:$0x1DF00] =	vst v63  }
0x3f: {  	_ =	swait.ge [sflag:s28], $0x1800  }
0x40: {  	[sflag:s28] =	ssyncset.done $0x0  }
0x41: {  	[sflag:s28] =	ssyncadd.s32 $0xFFFFE800  }
0x42: {  	[spmem:s17] =	stream.linear.scatter [tilespmem:s26], [sflag:$0x3], $0x1800, $0x38;
	[tilespmem:$0x1DF00] =	vst v63  }
0x43: {  	_ =	swait.ge [sflag:s28], $0x1800  }
0x44: {  	[sflag:s28] =	ssyncset.done $0x0  }
0x45: {  	[sflag:s28] =	ssyncadd.s32 $0xFFFFE800  }
0x46: {  	[spmem:s18] =	stream.linear.scatter [tilespmem:s26], [sflag:$0x3], $0x1800, $0x38;
	[tilespmem:$0x1DF00] =	vst v63  }
0x47: {  	_ =	swait.ge [sflag:s28], $0x1800  }
0x48: {  	[sflag:s28] =	ssyncset.done $0x0  }
0x49: {  	[sflag:s28] =	ssyncadd.s32 $0xFFFFE800  }
0x4a: {  	[spmem:s19] =	stream.linear.scatter [tilespmem:s26], [sflag:$0x3], $0x1800, $0x38;
	[tilespmem:$0x1DF00] =	vst v63  }
0x4b: {  	_ =	swait.ge [sflag:s28], $0x1800  }
0x4c: {  	[sflag:s28] =	ssyncset.done $0x0  }
0x4d: {  	[sflag:s28] =	ssyncadd.s32 $0xFFFFE800  }
0x4e: {  	[spmem:s20] =	stream.linear.scatter [tilespmem:s26], [sflag:$0x3], $0x1800, $0x38;
	[tilespmem:$0x1DF00] =	vst v63  }
0x4f: {  	_ =	swait.ge [sflag:s28], $0x1800  }
0x50: {  	[sflag:s28] =	ssyncset.done $0x0  }
0x51: {  	[sflag:s28] =	ssyncadd.s32 $0xFFFFE800  }
0x52: {  	[spmem:s21] =	stream.linear.scatter [tilespmem:s26], [sflag:$0x3], $0x1800, $0x38;
	[tilespmem:$0x1DF00] =	vst v63  }
0x53: {  	_ =	swait.ge [sflag:s28], $0x1800  }
0x54: {  	[sflag:s28] =	ssyncset.done $0x0  }
0x55: {  	[sflag:s28] =	ssyncadd.s32 $0xFFFFE800  }
0x56: {  	[spmem:s22] =	stream.linear.scatter [tilespmem:s26], [sflag:$0x3], $0x1800, $0x38;
	[tilespmem:$0x1DF00] =	vst v63  }
0x57: {  	_ =	swait.ge [sflag:s28], $0x1800  }
0x58: {  	[sflag:s28] =	ssyncset.done $0x0  }
0x59: {  	[sflag:s28] =	ssyncadd.s32 $0xFFFFE800  }
0x5a: {  	[spmem:s23] =	stream.linear.scatter [tilespmem:s26], [sflag:$0x3], $0x1800, $0x38;
	[tilespmem:$0x1DF00] =	vst v63  }
0x5b: {  	_ =	swait.ge [sflag:s28], $0x1800  }
0x5c: {  	[sflag:s28] =	ssyncset.done $0x0  }
0x5d: {  	s3 =	simm.s32 @!p0 $0x8E80;
	[sflag:s28] =	ssyncadd.s32 $0xFFFFE800  }
0x5e: {  	[spmem:s7] =	stream.linear.scatter @!p0 [tilespmem:s3], [sflag:$0x3], $0x800, $0x38;
	[tilespmem:$0x1DF00] =	vst v63  }
0x5f: {  	s3 =	simm.s32 @!p0 $0x3  }
0x60: {  	_ =	swait.ge @!p0 [sflag:s3], $0x800  }
0x61: {  	[sflag:s3] =	ssyncset.done @!p0 $0x0  }
0x62: {  	[sflag:s3] =	ssyncadd.s32 @!p0 $0xFFFFF800  }
0x63: {  	_ =	swait.ge [sflag:s29], $0x2800  }
0x64: {  	[sflag:s29] =	ssyncset.done $0x0  }
0x65: {  	[sflag:s29] =	ssyncadd.s32 $0xFFFFD800  }
0x66: {  	_ =	swait.ge [sflag:s29], $0x2800  }
0x67: {  	[sflag:s29] =	ssyncset.done $0x0  }
0x68: {  	[sflag:s29] =	ssyncadd.s32 $0xFFFFD800  }
0x69: {  	s6 =	simm.s32 $0x0;
	[bflag:$0x0] =	sbarrier.arrive $0xFFFF  }
0x6a: {  	[tilespmem:s31], [sflag:$0x2] =	stream.indirect.gather [hbm4b:s4+s30], $0x80, s6, s30, $0xb8;
	[tilespmem:$0x1DF00] =	vst v63  }
0x6b: {  	_ =	swait.ge [sflag:s0], $0x3E80  }
0x6c: {  	[sflag:s0] =	ssyncset.done $0x0  }
0x6d: {  	s24 =	simm.s32 $0x2800;
	[sflag:s0] =	ssyncadd.s32 $0xFFFFC180  }
0x6e: {  	[spmem:s1] =	stream.indirect.scatter.add.f32 [tilespmem:s31], [sflag:$0x3], $0x80, s24, s30, $0xb8;
	[tilespmem:$0x1DF00] =	vst v63  }
0x6f: {  	_ =	swait.ge [sflag:s28], $0x3E80  }
0x70: {  	s3 =	simm.s32 $0x400;
	s24 =	simm.s32 $0x200;
	[sflag:s28] =	ssyncset.done $0x0  }
.LBB2_4:
0x71: {  	s5 =	sshra.s32 s24, $0x2  }
0x72: {  	[sflag:s28] =	ssyncadd.s32 $0xFFFFC180;
	s24 =	smov.u32 s3;
	s6 =	sadd.s32 $0x200, s3  }
0x73: {  	[tilespmem:s31], [sflag:$0x2] =	stream.indirect.gather [hbm4b:s4+s30], $0x80, s5, s30, $0xb8;
	[tilespmem:$0x1DF00] =	vst v63  }
0x74: {  	p1 =	sne.s32 s3, $0x9E00;
	_ =	swait.ge [sflag:s0], $0x3E80  }
.Ltmp1:
0x75: {  	[sflag:s0] =	ssyncset.done $0x0;
	(pc) =	sbr.rel @p1 .LBB2_4-.Ltmp1, $4  }
0x76: {  	s3 =	sadd.s32 $0x2800, s5;
	[sflag:s0] =	ssyncadd.s32 $0xFFFFC180  }
0x77: {  	[spmem:s1] =	stream.indirect.scatter.add.f32 [tilespmem:s31], [sflag:$0x3], $0x80, s3, s30, $0xb8;
	[tilespmem:$0x1DF00] =	vst v63  }
0x78: {  	_ =	swait.ge [sflag:s28], $0x3E80  }
0x79: {  	s3 =	smov.u32 s6;
	[sflag:s28] =	ssyncset.done $0x0  }
0x7a: {  	s3 =	sshra.s32 s24, $0x2;
	[sflag:s28] =	ssyncadd.s32 $0xFFFFC180  }
0x7b: {  	[tilespmem:s31], [sflag:$0x2] =	stream.indirect.gather [hbm4b:s4+s30], $0x80, s3, s30, $0xb8;
	[tilespmem:$0x1DF00] =	vst v63  }
0x7c: {  	_ =	swait.ge [sflag:s0], $0x3E80  }
0x7d: {  	[sflag:s0] =	ssyncset.done $0x0  }
0x7e: {  	s3 =	sadd.s32 $0x2800, s3;
	[sflag:s0] =	ssyncadd.s32 $0xFFFFC180  }
0x7f: {  	[spmem:s1] =	stream.indirect.scatter.add.f32 [tilespmem:s31], [sflag:$0x3], $0x80, s3, s30, $0xb8;
	[tilespmem:$0x1DF00] =	vst v63  }
0x80: {  	_ =	swait.ge [sflag:s28], $0x3E80  }
0x81: {  	s24 =	stileid.u32;
	[sflag:s28] =	ssyncset.done $0x0  }
0x82: {  	s3 =	sshll.u32 s24, $0x6;
	[sflag:s28] =	ssyncadd.s32 $0xFFFFC180  }
0x83: {  	s3 =	sor.u32 $0x1C03, s3;
	[bflag:$0x0] =	sbarrier.arrive $0xFFFF  }
0x84: {  	[hbm:s8], [sflag:s3] =	dma.local [spmem:s25], $0x2700  }
0x85: {  	_ =	swait.ge [sflag:s28], $0x2700  }
0x86: {  	s2 =	sadd.s32 $0x1, s2;
	[sflag:s28] =	ssyncset.done $0x0  }
0x87: {  	s5 =	sshrl.u32 @!p0 s7, $0x3;
	p1 =	sne.s32 s2, s11;
	[sflag:s28] =	ssyncadd.s32 $0xFFFFD900  }
0x88: {  	[hbm:s10], [sflag:s3] =	dma.local @!p0 [spmem:s5], $0x100  }
.Ltmp2:
0x89: {  	_ = 	snop;
	(pc) =	sbr.rel @p1 .LBB2_1-.Ltmp2, $4  }
0x8a: {  	s3 =	simm.s32 @!p0 $0x3  }
0x8b: {  	_ =	swait.ge @!p0 [sflag:s3], $0x100  }
0x8c: {  	[sflag:s3] =	ssyncset.done @!p0 $0x0  }
0x8d: {  	[sflag:s3] =	ssyncadd.s32 @!p0 $0xFFFFFF00  }
0x8e: {  	_ =	sfence.sel $0x180000  }
0x8f: {  	[bflag:$0x0] =	sbarrier.arrive $0xFFFF  }
0x90: {  	_ =	strace $0x90000047  }
0x91: {  	s0 =	stileid.u32;
	[bflag:$0x2] =	sbarrier.arrive $0xFFFF  }
0x92: {  	p0 =	sne.s32 s0, $0x0;
	s0 =	rddreg [dreg:$0x2]  }
0x93: {  	s0 =	sadd.s32 @!p0 $0x100000, s0  }
0x94: {  	[sflag:s0] =	ssyncadd.tile.s32 @!p0 $0x1;
	_ =	shalt  }
.Lfunc_end2:
_tile_overlayer_lowered:
.L_overlay_start_2:
0x95: {  	(tag) =	ssettag $0x2  }
0x96: {  	s0 =	rddreg [dreg:$0x0];
	s2 =	stileid.u32  }
0x97: {  	s1 =	rddreg [dreg:$0x1];
	p0 =	sne.s32 s2, $0x0  }
0x98: {  	s3 =	rddreg [dreg:$0x2];
	[bflag:$0x3] =	sbarrier.arrive $0xFFFF;
	s2 =	simm.s32 @!p0 $0x1C03  }
0x99: {  	[timem:s3], [sflag:s2] =	dma.local @!p0 [hbm:s0], s1  }
0x9a: {  	s0 =	simm.s32 @!p0 $0x3  }
0x9b: {  	_ =	swait.ge @!p0 [sflag:s0], s1  }
0x9c: {  	s1 =	ssub.s32 @!p0 $0x0, s1;
	[sflag:s0] =	ssyncset.done @!p0 $0x0  }
0x9d: {  	[sflag:s0] =	ssyncadd.s32 @!p0 s1  }
0x9e: {  	[bflag:$0x3] =	sbarrier.arrive $0xFFFF  }
0x9f: {  	_ =	shalt  }

</sc_bundles>
